<compile_context>
chip_gen: v7x
topology: tpu7x:2x2x1
jax: 0.10.2.dev20260603
libtpu: 0.0.44.dev20260713+nightly
codegen_flags: <defaults>
</compile_context>

<pallas_src>
import functools

import jax
import jax.numpy as jnp
from jax import lax
from jax.experimental import pallas as pl
from jax.experimental.pallas import tpu as pltpu
from jax.experimental.pallas import tpu_sc as plsc

_DIM = 1024
_SEQ = 4096
_SCALE = _DIM ** (-0.5)
_NC, _NS, _L = 2, 16, 16
_NW = _NC * _NS
_ROWS_W = _SEQ // _NW
_CROWS = 16
_NCHUNK = _ROWS_W // _CROWS
_UNROLL = 16
_NVEC = _DIM // (_L * _UNROLL)

_mesh = plsc.VectorSubcoreMesh(core_axis_name="c", subcore_axis_name="s")


@functools.partial(
    pl.kernel,
    mesh=_mesh,
    out_type=jax.ShapeDtypeStruct((_SEQ, _DIM), jnp.float32),
    scratch_types=[
        pltpu.VMEM((_CROWS, _DIM), jnp.float32),
        pltpu.VMEM((_CROWS, _DIM), jnp.float32),
        pltpu.VMEM((_CROWS, _DIM), jnp.float32),
        pltpu.VMEM((_CROWS, _DIM), jnp.float32),
        pltpu.SemaphoreType.DMA,
        pltpu.SemaphoreType.DMA,
        pltpu.SemaphoreType.DMA,
        pltpu.SemaphoreType.DMA,
    ],
)
def _sc_scale_copy(emb_hbm, out_hbm, ibuf0, ibuf1, obuf0, obuf1,
                   isem0, isem1, osem0, osem1):
    wid = lax.axis_index("s") * _NC + lax.axis_index("c")
    base = wid * _ROWS_W
    ibufs, obufs = (ibuf0, ibuf1), (obuf0, obuf1)
    isems, osems = (isem0, isem1), (osem0, osem1)

    def in_copy(c, p):
        src = emb_hbm.at[pl.ds(base + c * _CROWS, _CROWS)]
        return pltpu.make_async_copy(src, ibufs[p], isems[p])

    def out_copy(c, p):
        dst = out_hbm.at[pl.ds(base + c * _CROWS, _CROWS)]
        return pltpu.make_async_copy(obufs[p], dst, osems[p])

    def compute(p):
        src, dst = ibufs[p], obufs[p]

        def row(r, outer):
            srow, drow = src.at[r], dst.at[r]

            def vec(j, inner):
                b = j * (_L * _UNROLL)
                for u in range(_UNROLL):
                    sl = pl.ds(b + u * _L, _L)
                    drow[sl] = srow[sl] * _SCALE
                return inner

            lax.fori_loop(0, _NVEC, vec, 0)
            return outer

        lax.fori_loop(0, _CROWS, row, 0)

    in_copy(0, 0).start()
    in_copy(1, 1).start()

    _NPAIR = _NCHUNK // 2

    def pair(g, carry):
        for p in (0, 1):
            c = g * 2 + p

            @pl.when(g >= 1)
            def _():
                out_copy(c - 2, p).wait()

            in_copy(c, p).wait()
            compute(p)
            out_copy(c, p).start()

            @pl.when(g < _NPAIR - 1)
            def _():
                in_copy(c + 2, p).start()

        return carry

    lax.fori_loop(0, _NPAIR, pair, 0)

    out_copy(_NCHUNK - 2, 0).wait()
    out_copy(_NCHUNK - 1, 1).wait()


def kernel(x, emb):
    del x
    return _sc_scale_copy(emb)

# --- scband reference (transcript-rebuilt; emitter-appended) ---
"""Pipeline reference for scband-absolute-positional-embedding-712964571574 (READ-ONLY COPY).

The authoritative reference and input builder live on the scoring server;
editing this copy changes nothing except your own understanding.
"""

import jax, jax.numpy as jnp
import numpy as np

DIM = 1024
MAX_SEQ_LEN = 8192
SCALE = DIM ** (-0.5)

def setup_inputs(seed: int = 0) -> dict:
    key = jax.random.key(seed)
    k1, k2 = jax.random.split(key)
    x = jax.random.randint(k1, (2, 4096), 0, MAX_SEQ_LEN, dtype=jnp.int64 if jax.config.jax_enable_x64 else jnp.int32)
    emb = jax.random.normal(k2, (MAX_SEQ_LEN, DIM), dtype=jnp.float32)
    return {"x": x, "emb": emb}

def reference(x, emb):
    seq_len = x.shape[-1]
    pos = jnp.arange(seq_len)
    pos_emb = jnp.take(emb, pos, axis=0)
    pos_emb = pos_emb * SCALE
    return pos_emb

if __name__ == "__main__":
    import jax
    _d = setup_inputs()
    print(jax.jit(kernel)(*tuple(_d.values())))

</pallas_src>

<mosaic_0001>
#map = affine_map<(d0, d1) -> (0, 0)>
module attributes {stable_mosaic.version = 14 : i64} {
  func.func @_sc_scale_copy(%arg0: i32, %arg1: i32, %arg2: memref<8192x1024xf32, #tpu.memory_space<hbm>>, %arg3: memref<4096x1024xf32, #tpu.memory_space<hbm>>, %arg4: memref<16x1024xf32, #tpu.memory_space<vmem>>, %arg5: memref<16x1024xf32, #tpu.memory_space<vmem>>, %arg6: memref<16x1024xf32, #tpu.memory_space<vmem>>, %arg7: memref<16x1024xf32, #tpu.memory_space<vmem>>, %arg8: memref<!tpu.dma_semaphore, #tpu.memory_space<semaphore_mem>>, %arg9: memref<!tpu.dma_semaphore, #tpu.memory_space<semaphore_mem>>, %arg10: memref<!tpu.dma_semaphore, #tpu.memory_space<semaphore_mem>>, %arg11: memref<!tpu.dma_semaphore, #tpu.memory_space<semaphore_mem>>) attributes {dimension_semantics = [#tpu.dimension_semantics<core_parallel>, #tpu.dimension_semantics<subcore_parallel>], iteration_bounds = array<i64: 2, 16>, scalar_prefetch = 0 : i64, scratch_operands = 8 : i64, tpu.core_type = #tpu.core_type<sc_vector_subcore>, window_params = [{transform_indices = #map}, {transform_indices = #map}]} {
    %mul3A = arith.constant 2 : i32
    %mul3A_0 = arith.muli %arg1, %mul3A : i32
    %add3A = arith.addi %mul3A_0, %arg0 : i32
    %mul3A_1 = arith.constant 128 : i32
    %mul3A_2 = arith.muli %add3A, %mul3A_1 : i32
    %add3A_3 = arith.constant 0 : i32
    %add3A_4 = arith.addi %mul3A_2, %add3A_3 : i32
    %dma_start3A = arith.constant 0 : i32
    %dma_start3A_5 = tpu.memref_slice %arg2[%add3A_4, %dma_start3A] : memref<8192x1024xf32, #tpu.memory_space<hbm>> -> memref<16x1024xf32, #tpu.memory_space<hbm>>
    %dma_start3A_6 = arith.constant 0 : i32
    %dma_start3A_7 = tpu.memref_slice %arg2[%add3A_4, %dma_start3A_6] : memref<8192x1024xf32, #tpu.memory_space<hbm>> -> memref<16x1024xf32, #tpu.memory_space<hbm>>
    tpu.enqueue_dma source(%dma_start3A_7 : memref<16x1024xf32, #tpu.memory_space<hbm>>) target(%arg4 : memref<16x1024xf32, #tpu.memory_space<vmem>>) target_semaphore(%arg8 : memref<!tpu.dma_semaphore, #tpu.memory_space<semaphore_mem>>)
    %add3A_8 = arith.constant 16 : i32
    %add3A_9 = arith.addi %mul3A_2, %add3A_8 : i32
    %dma_start3A_10 = arith.constant 0 : i32
    %dma_start3A_11 = tpu.memref_slice %arg2[%add3A_9, %dma_start3A_10] : memref<8192x1024xf32, #tpu.memory_space<hbm>> -> memref<16x1024xf32, #tpu.memory_space<hbm>>
    %dma_start3A_12 = arith.constant 0 : i32
    %dma_start3A_13 = tpu.memref_slice %arg2[%add3A_9, %dma_start3A_12] : memref<8192x1024xf32, #tpu.memory_space<hbm>> -> memref<16x1024xf32, #tpu.memory_space<hbm>>
    tpu.enqueue_dma source(%dma_start3A_13 : memref<16x1024xf32, #tpu.memory_space<hbm>>) target(%arg5 : memref<16x1024xf32, #tpu.memory_space<vmem>>) target_semaphore(%arg9 : memref<!tpu.dma_semaphore, #tpu.memory_space<semaphore_mem>>)
    %scan3A = arith.constant 0 : i32
    %scan3A_14 = arith.constant 0 : i32
    %scan3A_15 = arith.constant 4 : i32
    %scan3A_16 = arith.addi %scan3A_14, %scan3A_15 : i32
    %scan3A_17 = arith.constant 1 : i32
    scf.for %scan3A_30 = %scan3A_14 to %scan3A_16 step %scan3A_17  : i32 {
      %mul3A_31 = arith.constant 2 : i32
      %mul3A_32 = arith.muli %scan3A_30, %mul3A_31 : i32
      %add3A_33 = arith.constant 0 : i32
      %add3A_34 = arith.addi %mul3A_32, %add3A_33 : i32
      %ge3A = arith.constant 1 : i32
      %ge3A_35 = arith.cmpi sge, %scan3A_30, %ge3A : i32
      %convert_element_type3A = arith.extui %ge3A_35 : i1 to i32
      %cond3A = arith.constant 0 : i32
      %cond3A_36 = arith.cmpi ne, %convert_element_type3A, %cond3A : i32
      scf.if %cond3A_36 {
        %sub3A = arith.constant 2 : i32
        %sub3A_95 = arith.subi %add3A_34, %sub3A : i32
        %mul3A_96 = arith.constant 16 : i32
        %mul3A_97 = arith.muli %sub3A_95, %mul3A_96 : i32
        %add3A_98 = arith.addi %mul3A_2, %mul3A_97 : i32
        %dma_wait3A_99 = arith.constant 0 : i32
        %dma_wait3A_100 = tpu.memref_slice %arg3[%add3A_98, %dma_wait3A_99] : memref<4096x1024xf32, #tpu.memory_space<hbm>> -> memref<16x1024xf32, #tpu.memory_space<hbm>>
        %dma_wait3A_101 = arith.constant 0 : i32
        %dma_wait3A_102 = tpu.memref_slice %arg3[%add3A_98, %dma_wait3A_101] : memref<4096x1024xf32, #tpu.memory_space<hbm>> -> memref<16x1024xf32, #tpu.memory_space<hbm>>
        tpu.wait_dma2 semaphore(%arg10 : memref<!tpu.dma_semaphore, #tpu.memory_space<semaphore_mem>>) src(%arg6 : memref<16x1024xf32, #tpu.memory_space<vmem>>) dst(%dma_wait3A_102 : memref<16x1024xf32, #tpu.memory_space<hbm>>)
      } else {
      }
      %mul3A_37 = arith.constant 16 : i32
      %mul3A_38 = arith.muli %add3A_34, %mul3A_37 : i32
      %add3A_39 = arith.addi %mul3A_2, %mul3A_38 : i32
      %dma_wait3A_40 = arith.constant 0 : i32
      %dma_wait3A_41 = tpu.memref_slice %arg2[%add3A_39, %dma_wait3A_40] : memref<8192x1024xf32, #tpu.memory_space<hbm>> -> memref<16x1024xf32, #tpu.memory_space<hbm>>
      %dma_wait3A_42 = arith.constant 0 : i32
      %dma_wait3A_43 = tpu.memref_slice %arg2[%add3A_39, %dma_wait3A_42] : memref<8192x1024xf32, #tpu.memory_space<hbm>> -> memref<16x1024xf32, #tpu.memory_space<hbm>>
      tpu.wait_dma2 semaphore(%arg8 : memref<!tpu.dma_semaphore, #tpu.memory_space<semaphore_mem>>) src(%dma_wait3A_43 : memref<16x1024xf32, #tpu.memory_space<hbm>>) dst(%arg4 : memref<16x1024xf32, #tpu.memory_space<vmem>>)
      %scan3A_44 = arith.constant 0 : i32
      %scan3A_45 = arith.constant 0 : i32
      %scan3A_46 = arith.constant 16 : i32
      %scan3A_47 = arith.addi %scan3A_45, %scan3A_46 : i32
      %scan3A_48 = arith.constant 1 : i32
      scf.for %scan3A_95 = %scan3A_45 to %scan3A_47 step %scan3A_48  : i32 {
        %scan3A_96 = arith.constant 0 : i32
        %scan3A_97 = arith.constant 0 : i32
        %scan3A_98 = arith.constant 4 : i32
        %scan3A_99 = arith.addi %scan3A_97, %scan3A_98 : i32
        %scan3A_100 = arith.constant 1 : i32
        scf.for %scan3A_102 = %scan3A_97 to %scan3A_99 step %scan3A_100  : i32 {
          %mul3A_103 = arith.constant 256 : i32
          %mul3A_104 = arith.muli %scan3A_102, %mul3A_103 : i32
          %add3A_105 = arith.constant 0 : i32
          %add3A_106 = arith.addi %mul3A_104, %add3A_105 : i32
          %get3A = arith.constant 0 : i32
          %get3A_107 = tpu.memref_slice %arg4[%scan3A_95, %get3A] : memref<16x1024xf32, #tpu.memory_space<vmem>> -> memref<1x1024xf32, #tpu.memory_space<vmem>>
          %get3A_108 = tpu.memref_squeeze %get3A_107 : memref<1x1024xf32, #tpu.memory_space<vmem>> -> memref<1024xf32, #tpu.memory_space<vmem>>
          %get3A_109 = arith.index_cast %add3A_106 : i32 to index
          %get3A_110 = tpu.vector_load %get3A_108[%get3A_109] {strides = array<i32>} : memref<1024xf32, #tpu.memory_space<vmem>>, vector<16xf32>,
          %get3A_111 = vector.shape_cast %get3A_110 : vector<16xf32> to vector<16xf32>
          %mul3A_112 = arith.constant 3.125000e-02 : f32
          %mul3A_113 = vector.broadcast %mul3A_112 : f32 to vector<16xf32>
          %mul3A_114 = arith.mulf %get3A_111, %mul3A_113 : vector<16xf32>
          %swap3A = arith.constant 0 : i32
          %swap3A_115 = tpu.memref_slice %arg6[%scan3A_95, %swap3A] : memref<16x1024xf32, #tpu.memory_space<vmem>> -> memref<1x1024xf32, #tpu.memory_space<vmem>>
          %swap3A_116 = tpu.memref_squeeze %swap3A_115 : memref<1x1024xf32, #tpu.memory_space<vmem>> -> memref<1024xf32, #tpu.memory_space<vmem>>
          %swap3A_117 = arith.index_cast %add3A_106 : i32 to index
          %swap3A_118 = tpu.vector_load %swap3A_116[%swap3A_117] {strides = array<i32>} : memref<1024xf32, #tpu.memory_space<vmem>>, vector<16xf32>,
          %swap3A_119 = vector.shape_cast %swap3A_118 : vector<16xf32> to vector<16xf32>
          %swap3A_120 = vector.shape_cast %mul3A_114 : vector<16xf32> to vector<16xf32>
          tpu.vector_store %swap3A_116[%swap3A_117], %swap3A_120 {strides = array<i32>} : memref<1024xf32, #tpu.memory_space<vmem>>, vector<16xf32>,
          %add3A_121 = arith.constant 16 : i32
          %add3A_122 = arith.addi %mul3A_104, %add3A_121 : i32
          %get3A_123 = arith.constant 0 : i32
          %get3A_124 = tpu.memref_slice %arg4[%scan3A_95, %get3A_123] : memref<16x1024xf32, #tpu.memory_space<vmem>> -> memref<1x1024xf32, #tpu.memory_space<vmem>>
          %get3A_125 = tpu.memref_squeeze %get3A_124 : memref<1x1024xf32, #tpu.memory_space<vmem>> -> memref<1024xf32, #tpu.memory_space<vmem>>
          %get3A_126 = arith.index_cast %add3A_122 : i32 to index
          %get3A_127 = tpu.vector_load %get3A_125[%get3A_126] {strides = array<i32>} : memref<1024xf32, #tpu.memory_space<vmem>>, vector<16xf32>,
          %get3A_128 = vector.shape_cast %get3A_127 : vector<16xf32> to vector<16xf32>
          %mul3A_129 = arith.constant 3.125000e-02 : f32
          %mul3A_130 = vector.broadcast %mul3A_129 : f32 to vector<16xf32>
          %mul3A_131 = arith.mulf %get3A_128, %mul3A_130 : vector<16xf32>
          %swap3A_132 = arith.constant 0 : i32
          %swap3A_133 = tpu.memref_slice %arg6[%scan3A_95, %swap3A_132] : memref<16x1024xf32, #tpu.memory_space<vmem>> -> memref<1x1024xf32, #tpu.memory_space<vmem>>
          %swap3A_134 = tpu.memref_squeeze %swap3A_133 : memref<1x1024xf32, #tpu.memory_space<vmem>> -> memref<1024xf32, #tpu.memory_space<vmem>>
          %swap3A_135 = arith.index_cast %add3A_122 : i32 to index
          %swap3A_136 = tpu.vector_load %swap3A_134[%swap3A_135] {strides = array<i32>} : memref<1024xf32, #tpu.memory_space<vmem>>, vector<16xf32>,
          %swap3A_137 = vector.shape_cast %swap3A_136 : vector<16xf32> to vector<16xf32>
          %swap3A_138 = vector.shape_cast %mul3A_131 : vector<16xf32> to vector<16xf32>
          tpu.vector_store %swap3A_134[%swap3A_135], %swap3A_138 {strides = array<i32>} : memref<1024xf32, #tpu.memory_space<vmem>>, vector<16xf32>,
          %add3A_139 = arith.constant 32 : i32
          %add3A_140 = arith.addi %mul3A_104, %add3A_139 : i32
          %get3A_141 = arith.constant 0 : i32
          %get3A_142 = tpu.memref_slice %arg4[%scan3A_95, %get3A_141] : memref<16x1024xf32, #tpu.memory_space<vmem>> -> memref<1x1024xf32, #tpu.memory_space<vmem>>
          %get3A_143 = tpu.memref_squeeze %get3A_142 : memref<1x1024xf32, #tpu.memory_space<vmem>> -> memref<1024xf32, #tpu.memory_space<vmem>>
          %get3A_144 = arith.index_cast %add3A_140 : i32 to index
          %get3A_145 = tpu.vector_load %get3A_143[%get3A_144] {strides = array<i32>} : memref<1024xf32, #tpu.memory_space<vmem>>, vector<16xf32>,
          %get3A_146 = vector.shape_cast %get3A_145 : vector<16xf32> to vector<16xf32>
          %mul3A_147 = arith.constant 3.125000e-02 : f32
          %mul3A_148 = vector.broadcast %mul3A_147 : f32 to vector<16xf32>
          %mul3A_149 = arith.mulf %get3A_146, %mul3A_148 : vector<16xf32>
          %swap3A_150 = arith.constant 0 : i32
          %swap3A_151 = tpu.memref_slice %arg6[%scan3A_95, %swap3A_150] : memref<16x1024xf32, #tpu.memory_space<vmem>> -> memref<1x1024xf32, #tpu.memory_space<vmem>>
          %swap3A_152 = tpu.memref_squeeze %swap3A_151 : memref<1x1024xf32, #tpu.memory_space<vmem>> -> memref<1024xf32, #tpu.memory_space<vmem>>
          %swap3A_153 = arith.index_cast %add3A_140 : i32 to index
          %swap3A_154 = tpu.vector_load %swap3A_152[%swap3A_153] {strides = array<i32>} : memref<1024xf32, #tpu.memory_space<vmem>>, vector<16xf32>,
          %swap3A_155 = vector.shape_cast %swap3A_154 : vector<16xf32> to vector<16xf32>
          %swap3A_156 = vector.shape_cast %mul3A_149 : vector<16xf32> to vector<16xf32>
          tpu.vector_store %swap3A_152[%swap3A_153], %swap3A_156 {strides = array<i32>} : memref<1024xf32, #tpu.memory_space<vmem>>, vector<16xf32>,
          %add3A_157 = arith.constant 48 : i32
          %add3A_158 = arith.addi %mul3A_104, %add3A_157 : i32
          %get3A_159 = arith.constant 0 : i32
          %get3A_160 = tpu.memref_slice %arg4[%scan3A_95, %get3A_159] : memref<16x1024xf32, #tpu.memory_space<vmem>> -> memref<1x1024xf32, #tpu.memory_space<vmem>>
          %get3A_161 = tpu.memref_squeeze %get3A_160 : memref<1x1024xf32, #tpu.memory_space<vmem>> -> memref<1024xf32, #tpu.memory_space<vmem>>
          %get3A_162 = arith.index_cast %add3A_158 : i32 to index
          %get3A_163 = tpu.vector_load %get3A_161[%get3A_162] {strides = array<i32>} : memref<1024xf32, #tpu.memory_space<vmem>>, vector<16xf32>,
          %get3A_164 = vector.shape_cast %get3A_163 : vector<16xf32> to vector<16xf32>
          %mul3A_165 = arith.constant 3.125000e-02 : f32
          %mul3A_166 = vector.broadcast %mul3A_165 : f32 to vector<16xf32>
          %mul3A_167 = arith.mulf %get3A_164, %mul3A_166 : vector<16xf32>
          %swap3A_168 = arith.constant 0 : i32
          %swap3A_169 = tpu.memref_slice %arg6[%scan3A_95, %swap3A_168] : memref<16x1024xf32, #tpu.memory_space<vmem>> -> memref<1x1024xf32, #tpu.memory_space<vmem>>
          %swap3A_170 = tpu.memref_squeeze %swap3A_169 : memref<1x1024xf32, #tpu.memory_space<vmem>> -> memref<1024xf32, #tpu.memory_space<vmem>>
          %swap3A_171 = arith.index_cast %add3A_158 : i32 to index
          %swap3A_172 = tpu.vector_load %swap3A_170[%swap3A_171] {strides = array<i32>} : memref<1024xf32, #tpu.memory_space<vmem>>, vector<16xf32>,
          %swap3A_173 = vector.shape_cast %swap3A_172 : vector<16xf32> to vector<16xf32>
          %swap3A_174 = vector.shape_cast %mul3A_167 : vector<16xf32> to vector<16xf32>
          tpu.vector_store %swap3A_170[%swap3A_171], %swap3A_174 {strides = array<i32>} : memref<1024xf32, #tpu.memory_space<vmem>>, vector<16xf32>,
          %add3A_175 = arith.constant 64 : i32
          %add3A_176 = arith.addi %mul3A_104, %add3A_175 : i32
          %get3A_177 = arith.constant 0 : i32
          %get3A_178 = tpu.memref_slice %arg4[%scan3A_95, %get3A_177] : memref<16x1024xf32, #tpu.memory_space<vmem>> -> memref<1x1024xf32, #tpu.memory_space<vmem>>
          %get3A_179 = tpu.memref_squeeze %get3A_178 : memref<1x1024xf32, #tpu.memory_space<vmem>> -> memref<1024xf32, #tpu.memory_space<vmem>>
          %get3A_180 = arith.index_cast %add3A_176 : i32 to index
          %get3A_181 = tpu.vector_load %get3A_179[%get3A_180] {strides = array<i32>} : memref<1024xf32, #tpu.memory_space<vmem>>, vector<16xf32>,
          %get3A_182 = vector.shape_cast %get3A_181 : vector<16xf32> to vector<16xf32>
          %mul3A_183 = arith.constant 3.125000e-02 : f32
          %mul3A_184 = vector.broadcast %mul3A_183 : f32 to vector<16xf32>
          %mul3A_185 = arith.mulf %get3A_182, %mul3A_184 : vector<16xf32>
          %swap3A_186 = arith.constant 0 : i32
          %swap3A_187 = tpu.memref_slice %arg6[%scan3A_95, %swap3A_186] : memref<16x1024xf32, #tpu.memory_space<vmem>> -> memref<1x1024xf32, #tpu.memory_space<vmem>>
          %swap3A_188 = tpu.memref_squeeze %swap3A_187 : memref<1x1024xf32, #tpu.memory_space<vmem>> -> memref<1024xf32, #tpu.memory_space<vmem>>
          %swap3A_189 = arith.index_cast %add3A_176 : i32 to index
          %swap3A_190 = tpu.vector_load %swap3A_188[%swap3A_189] {strides = array<i32>} : memref<1024xf32, #tpu.memory_space<vmem>>, vector<16xf32>,
          %swap3A_191 = vector.shape_cast %swap3A_190 : vector<16xf32> to vector<16xf32>
          %swap3A_192 = vector.shape_cast %mul3A_185 : vector<16xf32> to vector<16xf32>
          tpu.vector_store %swap3A_188[%swap3A_189], %swap3A_192 {strides = array<i32>} : memref<1024xf32, #tpu.memory_space<vmem>>, vector<16xf32>,
          %add3A_193 = arith.constant 80 : i32
          %add3A_194 = arith.addi %mul3A_104, %add3A_193 : i32
          %get3A_195 = arith.constant 0 : i32
          %get3A_196 = tpu.memref_slice %arg4[%scan3A_95, %get3A_195] : memref<16x1024xf32, #tpu.memory_space<vmem>> -> memref<1x1024xf32, #tpu.memory_space<vmem>>
          %get3A_197 = tpu.memref_squeeze %get3A_196 : memref<1x1024xf32, #tpu.memory_space<vmem>> -> memref<1024xf32, #tpu.memory_space<vmem>>
          %get3A_198 = arith.index_cast %add3A_194 : i32 to index
          %get3A_199 = tpu.vector_load %get3A_197[%get3A_198] {strides = array<i32>} : memref<1024xf32, #tpu.memory_space<vmem>>, vector<16xf32>,
          %get3A_200 = vector.shape_cast %get3A_199 : vector<16xf32> to vector<16xf32>
          %mul3A_201 = arith.constant 3.125000e-02 : f32
          %mul3A_202 = vector.broadcast %mul3A_201 : f32 to vector<16xf32>
          %mul3A_203 = arith.mulf %get3A_200, %mul3A_202 : vector<16xf32>
          %swap3A_204 = arith.constant 0 : i32
          %swap3A_205 = tpu.memref_slice %arg6[%scan3A_95, %swap3A_204] : memref<16x1024xf32, #tpu.memory_space<vmem>> -> memref<1x1024xf32, #tpu.memory_space<vmem>>
          %swap3A_206 = tpu.memref_squeeze %swap3A_205 : memref<1x1024xf32, #tpu.memory_space<vmem>> -> memref<1024xf32, #tpu.memory_space<vmem>>
          %swap3A_207 = arith.index_cast %add3A_194 : i32 to index
          %swap3A_208 = tpu.vector_load %swap3A_206[%swap3A_207] {strides = array<i32>} : memref<1024xf32, #tpu.memory_space<vmem>>, vector<16xf32>,
          %swap3A_209 = vector.shape_cast %swap3A_208 : vector<16xf32> to vector<16xf32>
          %swap3A_210 = vector.shape_cast %mul3A_203 : vector<16xf32> to vector<16xf32>
          tpu.vector_store %swap3A_206[%swap3A_207], %swap3A_210 {strides = array<i32>} : memref<1024xf32, #tpu.memory_space<vmem>>, vector<16xf32>,
          %add3A_211 = arith.constant 96 : i32
          %add3A_212 = arith.addi %mul3A_104, %add3A_211 : i32
          %get3A_213 = arith.constant 0 : i32
          %get3A_214 = tpu.memref_slice %arg4[%scan3A_95, %get3A_213] : memref<16x1024xf32, #tpu.memory_space<vmem>> -> memref<1x1024xf32, #tpu.memory_space<vmem>>
          %get3A_215 = tpu.memref_squeeze %get3A_214 : memref<1x1024xf32, #tpu.memory_space<vmem>> -> memref<1024xf32, #tpu.memory_space<vmem>>
          %get3A_216 = arith.index_cast %add3A_212 : i32 to index
          %get3A_217 = tpu.vector_load %get3A_215[%get3A_216] {strides = array<i32>} : memref<1024xf32, #tpu.memory_space<vmem>>, vector<16xf32>,
          %get3A_218 = vector.shape_cast %get3A_217 : vector<16xf32> to vector<16xf32>
          %mul3A_219 = arith.constant 3.125000e-02 : f32
          %mul3A_220 = vector.broadcast %mul3A_219 : f32 to vector<16xf32>
          %mul3A_221 = arith.mulf %get3A_218, %mul3A_220 : vector<16xf32>
          %swap3A_222 = arith.constant 0 : i32
          %swap3A_223 = tpu.memref_slice %arg6[%scan3A_95, %swap3A_222] : memref<16x1024xf32, #tpu.memory_space<vmem>> -> memref<1x1024xf32, #tpu.memory_space<vmem>>
          %swap3A_224 = tpu.memref_squeeze %swap3A_223 : memref<1x1024xf32, #tpu.memory_space<vmem>> -> memref<1024xf32, #tpu.memory_space<vmem>>
          %swap3A_225 = arith.index_cast %add3A_212 : i32 to index
          %swap3A_226 = tpu.vector_load %swap3A_224[%swap3A_225] {strides = array<i32>} : memref<1024xf32, #tpu.memory_space<vmem>>, vector<16xf32>,
          %swap3A_227 = vector.shape_cast %swap3A_226 : vector<16xf32> to vector<16xf32>
          %swap3A_228 = vector.shape_cast %mul3A_221 : vector<16xf32> to vector<16xf32>
          tpu.vector_store %swap3A_224[%swap3A_225], %swap3A_228 {strides = array<i32>} : memref<1024xf32, #tpu.memory_space<vmem>>, vector<16xf32>,
          %add3A_229 = arith.constant 112 : i32
          %add3A_230 = arith.addi %mul3A_104, %add3A_229 : i32
          %get3A_231 = arith.constant 0 : i32
          %get3A_232 = tpu.memref_slice %arg4[%scan3A_95, %get3A_231] : memref<16x1024xf32, #tpu.memory_space<vmem>> -> memref<1x1024xf32, #tpu.memory_space<vmem>>
          %get3A_233 = tpu.memref_squeeze %get3A_232 : memref<1x1024xf32, #tpu.memory_space<vmem>> -> memref<1024xf32, #tpu.memory_space<vmem>>
          %get3A_234 = arith.index_cast %add3A_230 : i32 to index
          %get3A_235 = tpu.vector_load %get3A_233[%get3A_234] {strides = array<i32>} : memref<1024xf32, #tpu.memory_space<vmem>>, vector<16xf32>,
          %get3A_236 = vector.shape_cast %get3A_235 : vector<16xf32> to vector<16xf32>
          %mul3A_237 = arith.constant 3.125000e-02 : f32
          %mul3A_238 = vector.broadcast %mul3A_237 : f32 to vector<16xf32>
          %mul3A_239 = arith.mulf %get3A_236, %mul3A_238 : vector<16xf32>
          %swap3A_240 = arith.constant 0 : i32
          %swap3A_241 = tpu.memref_slice %arg6[%scan3A_95, %swap3A_240] : memref<16x1024xf32, #tpu.memory_space<vmem>> -> memref<1x1024xf32, #tpu.memory_space<vmem>>
          %swap3A_242 = tpu.memref_squeeze %swap3A_241 : memref<1x1024xf32, #tpu.memory_space<vmem>> -> memref<1024xf32, #tpu.memory_space<vmem>>
          %swap3A_243 = arith.index_cast %add3A_230 : i32 to index
          %swap3A_244 = tpu.vector_load %swap3A_242[%swap3A_243] {strides = array<i32>} : memref<1024xf32, #tpu.memory_space<vmem>>, vector<16xf32>,
          %swap3A_245 = vector.shape_cast %swap3A_244 : vector<16xf32> to vector<16xf32>
          %swap3A_246 = vector.shape_cast %mul3A_239 : vector<16xf32> to vector<16xf32>
          tpu.vector_store %swap3A_242[%swap3A_243], %swap3A_246 {strides = array<i32>} : memref<1024xf32, #tpu.memory_space<vmem>>, vector<16xf32>,
          %add3A_247 = arith.constant 128 : i32
          %add3A_248 = arith.addi %mul3A_104, %add3A_247 : i32
          %get3A_249 = arith.constant 0 : i32
          %get3A_250 = tpu.memref_slice %arg4[%scan3A_95, %get3A_249] : memref<16x1024xf32, #tpu.memory_space<vmem>> -> memref<1x1024xf32, #tpu.memory_space<vmem>>
          %get3A_251 = tpu.memref_squeeze %get3A_250 : memref<1x1024xf32, #tpu.memory_space<vmem>> -> memref<1024xf32, #tpu.memory_space<vmem>>
          %get3A_252 = arith.index_cast %add3A_248 : i32 to index
          %get3A_253 = tpu.vector_load %get3A_251[%get3A_252] {strides = array<i32>} : memref<1024xf32, #tpu.memory_space<vmem>>, vector<16xf32>,
          %get3A_254 = vector.shape_cast %get3A_253 : vector<16xf32> to vector<16xf32>
          %mul3A_255 = arith.constant 3.125000e-02 : f32
          %mul3A_256 = vector.broadcast %mul3A_255 : f32 to vector<16xf32>
          %mul3A_257 = arith.mulf %get3A_254, %mul3A_256 : vector<16xf32>
          %swap3A_258 = arith.constant 0 : i32
          %swap3A_259 = tpu.memref_slice %arg6[%scan3A_95, %swap3A_258] : memref<16x1024xf32, #tpu.memory_space<vmem>> -> memref<1x1024xf32, #tpu.memory_space<vmem>>
          %swap3A_260 = tpu.memref_squeeze %swap3A_259 : memref<1x1024xf32, #tpu.memory_space<vmem>> -> memref<1024xf32, #tpu.memory_space<vmem>>
          %swap3A_261 = arith.index_cast %add3A_248 : i32 to index
          %swap3A_262 = tpu.vector_load %swap3A_260[%swap3A_261] {strides = array<i32>} : memref<1024xf32, #tpu.memory_space<vmem>>, vector<16xf32>,
          %swap3A_263 = vector.shape_cast %swap3A_262 : vector<16xf32> to vector<16xf32>
          %swap3A_264 = vector.shape_cast %mul3A_257 : vector<16xf32> to vector<16xf32>
          tpu.vector_store %swap3A_260[%swap3A_261], %swap3A_264 {strides = array<i32>} : memref<1024xf32, #tpu.memory_space<vmem>>, vector<16xf32>,
          %add3A_265 = arith.constant 144 : i32
          %add3A_266 = arith.addi %mul3A_104, %add3A_265 : i32
          %get3A_267 = arith.constant 0 : i32
          %get3A_268 = tpu.memref_slice %arg4[%scan3A_95, %get3A_267] : memref<16x1024xf32, #tpu.memory_space<vmem>> -> memref<1x1024xf32, #tpu.memory_space<vmem>>
          %get3A_269 = tpu.memref_squeeze %get3A_268 : memref<1x1024xf32, #tpu.memory_space<vmem>> -> memref<1024xf32, #tpu.memory_space<vmem>>
          %get3A_270 = arith.index_cast %add3A_266 : i32 to index
          %get3A_271 = tpu.vector_load %get3A_269[%get3A_270] {strides = array<i32>} : memref<1024xf32, #tpu.memory_space<vmem>>, vector<16xf32>,
          %get3A_272 = vector.shape_cast %get3A_271 : vector<16xf32> to vector<16xf32>
          %mul3A_273 = arith.constant 3.125000e-02 : f32
          %mul3A_274 = vector.broadcast %mul3A_273 : f32 to vector<16xf32>
          %mul3A_275 = arith.mulf %get3A_272, %mul3A_274 : vector<16xf32>
          %swap3A_276 = arith.constant 0 : i32
          %swap3A_277 = tpu.memref_slice %arg6[%scan3A_95, %swap3A_276] : memref<16x1024xf32, #tpu.memory_space<vmem>> -> memref<1x1024xf32, #tpu.memory_space<vmem>>
          %swap3A_278 = tpu.memref_squeeze %swap3A_277 : memref<1x1024xf32, #tpu.memory_space<vmem>> -> memref<1024xf32, #tpu.memory_space<vmem>>
          %swap3A_279 = arith.index_cast %add3A_266 : i32 to index
          %swap3A_280 = tpu.vector_load %swap3A_278[%swap3A_279] {strides = array<i32>} : memref<1024xf32, #tpu.memory_space<vmem>>, vector<16xf32>,
          %swap3A_281 = vector.shape_cast %swap3A_280 : vector<16xf32> to vector<16xf32>
          %swap3A_282 = vector.shape_cast %mul3A_275 : vector<16xf32> to vector<16xf32>
          tpu.vector_store %swap3A_278[%swap3A_279], %swap3A_282 {strides = array<i32>} : memref<1024xf32, #tpu.memory_space<vmem>>, vector<16xf32>,
          %add3A_283 = arith.constant 160 : i32
          %add3A_284 = arith.addi %mul3A_104, %add3A_283 : i32
          %get3A_285 = arith.constant 0 : i32
          %get3A_286 = tpu.memref_slice %arg4[%scan3A_95, %get3A_285] : memref<16x1024xf32, #tpu.memory_space<vmem>> -> memref<1x1024xf32, #tpu.memory_space<vmem>>
          %get3A_287 = tpu.memref_squeeze %get3A_286 : memref<1x1024xf32, #tpu.memory_space<vmem>> -> memref<1024xf32, #tpu.memory_space<vmem>>
          %get3A_288 = arith.index_cast %add3A_284 : i32 to index
          %get3A_289 = tpu.vector_load %get3A_287[%get3A_288] {strides = array<i32>} : memref<1024xf32, #tpu.memory_space<vmem>>, vector<16xf32>,
          %get3A_290 = vector.shape_cast %get3A_289 : vector<16xf32> to vector<16xf32>
          %mul3A_291 = arith.constant 3.125000e-02 : f32
          %mul3A_292 = vector.broadcast %mul3A_291 : f32 to vector<16xf32>
          %mul3A_293 = arith.mulf %get3A_290, %mul3A_292 : vector<16xf32>
          %swap3A_294 = arith.constant 0 : i32
          %swap3A_295 = tpu.memref_slice %arg6[%scan3A_95, %swap3A_294] : memref<16x1024xf32, #tpu.memory_space<vmem>> -> memref<1x1024xf32, #tpu.memory_space<vmem>>
          %swap3A_296 = tpu.memref_squeeze %swap3A_295 : memref<1x1024xf32, #tpu.memory_space<vmem>> -> memref<1024xf32, #tpu.memory_space<vmem>>
          %swap3A_297 = arith.index_cast %add3A_284 : i32 to index
          %swap3A_298 = tpu.vector_load %swap3A_296[%swap3A_297] {strides = array<i32>} : memref<1024xf32, #tpu.memory_space<vmem>>, vector<16xf32>,
          %swap3A_299 = vector.shape_cast %swap3A_298 : vector<16xf32> to vector<16xf32>
          %swap3A_300 = vector.shape_cast %mul3A_293 : vector<16xf32> to vector<16xf32>
          tpu.vector_store %swap3A_296[%swap3A_297], %swap3A_300 {strides = array<i32>} : memref<1024xf32, #tpu.memory_space<vmem>>, vector<16xf32>,
          %add3A_301 = arith.constant 176 : i32
          %add3A_302 = arith.addi %mul3A_104, %add3A_301 : i32
          %get3A_303 = arith.constant 0 : i32
          %get3A_304 = tpu.memref_slice %arg4[%scan3A_95, %get3A_303] : memref<16x1024xf32, #tpu.memory_space<vmem>> -> memref<1x1024xf32, #tpu.memory_space<vmem>>
          %get3A_305 = tpu.memref_squeeze %get3A_304 : memref<1x1024xf32, #tpu.memory_space<vmem>> -> memref<1024xf32, #tpu.memory_space<vmem>>
          %get3A_306 = arith.index_cast %add3A_302 : i32 to index
          %get3A_307 = tpu.vector_load %get3A_305[%get3A_306] {strides = array<i32>} : memref<1024xf32, #tpu.memory_space<vmem>>, vector<16xf32>,
          %get3A_308 = vector.shape_cast %get3A_307 : vector<16xf32> to vector<16xf32>
          %mul3A_309 = arith.constant 3.125000e-02 : f32
          %mul3A_310 = vector.broadcast %mul3A_309 : f32 to vector<16xf32>
          %mul3A_311 = arith.mulf %get3A_308, %mul3A_310 : vector<16xf32>
          %swap3A_312 = arith.constant 0 : i32
          %swap3A_313 = tpu.memref_slice %arg6[%scan3A_95, %swap3A_312] : memref<16x1024xf32, #tpu.memory_space<vmem>> -> memref<1x1024xf32, #tpu.memory_space<vmem>>
          %swap3A_314 = tpu.memref_squeeze %swap3A_313 : memref<1x1024xf32, #tpu.memory_space<vmem>> -> memref<1024xf32, #tpu.memory_space<vmem>>
          %swap3A_315 = arith.index_cast %add3A_302 : i32 to index
          %swap3A_316 = tpu.vector_load %swap3A_314[%swap3A_315] {strides = array<i32>} : memref<1024xf32, #tpu.memory_space<vmem>>, vector<16xf32>,
          %swap3A_317 = vector.shape_cast %swap3A_316 : vector<16xf32> to vector<16xf32>
          %swap3A_318 = vector.shape_cast %mul3A_311 : vector<16xf32> to vector<16xf32>
          tpu.vector_store %swap3A_314[%swap3A_315], %swap3A_318 {strides = array<i32>} : memref<1024xf32, #tpu.memory_space<vmem>>, vector<16xf32>,
          %add3A_319 = arith.constant 192 : i32
          %add3A_320 = arith.addi %mul3A_104, %add3A_319 : i32
          %get3A_321 = arith.constant 0 : i32
          %get3A_322 = tpu.memref_slice %arg4[%scan3A_95, %get3A_321] : memref<16x1024xf32, #tpu.memory_space<vmem>> -> memref<1x1024xf32, #tpu.memory_space<vmem>>
          %get3A_323 = tpu.memref_squeeze %get3A_322 : memref<1x1024xf32, #tpu.memory_space<vmem>> -> memref<1024xf32, #tpu.memory_space<vmem>>
          %get3A_324 = arith.index_cast %add3A_320 : i32 to index
          %get3A_325 = tpu.vector_load %get3A_323[%get3A_324] {strides = array<i32>} : memref<1024xf32, #tpu.memory_space<vmem>>, vector<16xf32>,
          %get3A_326 = vector.shape_cast %get3A_325 : vector<16xf32> to vector<16xf32>
          %mul3A_327 = arith.constant 3.125000e-02 : f32
          %mul3A_328 = vector.broadcast %mul3A_327 : f32 to vector<16xf32>
          %mul3A_329 = arith.mulf %get3A_326, %mul3A_328 : vector<16xf32>
          %swap3A_330 = arith.constant 0 : i32
          %swap3A_331 = tpu.memref_slice %arg6[%scan3A_95, %swap3A_330] : memref<16x1024xf32, #tpu.memory_space<vmem>> -> memref<1x1024xf32, #tpu.memory_space<vmem>>
          %swap3A_332 = tpu.memref_squeeze %swap3A_331 : memref<1x1024xf32, #tpu.memory_space<vmem>> -> memref<1024xf32, #tpu.memory_space<vmem>>
          %swap3A_333 = arith.index_cast %add3A_320 : i32 to index
          %swap3A_334 = tpu.vector_load %swap3A_332[%swap3A_333] {strides = array<i32>} : memref<1024xf32, #tpu.memory_space<vmem>>, vector<16xf32>,
          %swap3A_335 = vector.shape_cast %swap3A_334 : vector<16xf32> to vector<16xf32>
          %swap3A_336 = vector.shape_cast %mul3A_329 : vector<16xf32> to vector<16xf32>
          tpu.vector_store %swap3A_332[%swap3A_333], %swap3A_336 {strides = array<i32>} : memref<1024xf32, #tpu.memory_space<vmem>>, vector<16xf32>,
          %add3A_337 = arith.constant 208 : i32
          %add3A_338 = arith.addi %mul3A_104, %add3A_337 : i32
          %get3A_339 = arith.constant 0 : i32
          %get3A_340 = tpu.memref_slice %arg4[%scan3A_95, %get3A_339] : memref<16x1024xf32, #tpu.memory_space<vmem>> -> memref<1x1024xf32, #tpu.memory_space<vmem>>
          %get3A_341 = tpu.memref_squeeze %get3A_340 : memref<1x1024xf32, #tpu.memory_space<vmem>> -> memref<1024xf32, #tpu.memory_space<vmem>>
          %get3A_342 = arith.index_cast %add3A_338 : i32 to index
          %get3A_343 = tpu.vector_load %get3A_341[%get3A_342] {strides = array<i32>} : memref<1024xf32, #tpu.memory_space<vmem>>, vector<16xf32>,
          %get3A_344 = vector.shape_cast %get3A_343 : vector<16xf32> to vector<16xf32>
          %mul3A_345 = arith.constant 3.125000e-02 : f32
          %mul3A_346 = vector.broadcast %mul3A_345 : f32 to vector<16xf32>
          %mul3A_347 = arith.mulf %get3A_344, %mul3A_346 : vector<16xf32>
          %swap3A_348 = arith.constant 0 : i32
          %swap3A_349 = tpu.memref_slice %arg6[%scan3A_95, %swap3A_348] : memref<16x1024xf32, #tpu.memory_space<vmem>> -> memref<1x1024xf32, #tpu.memory_space<vmem>>
          %swap3A_350 = tpu.memref_squeeze %swap3A_349 : memref<1x1024xf32, #tpu.memory_space<vmem>> -> memref<1024xf32, #tpu.memory_space<vmem>>
          %swap3A_351 = arith.index_cast %add3A_338 : i32 to index
          %swap3A_352 = tpu.vector_load %swap3A_350[%swap3A_351] {strides = array<i32>} : memref<1024xf32, #tpu.memory_space<vmem>>, vector<16xf32>,
          %swap3A_353 = vector.shape_cast %swap3A_352 : vector<16xf32> to vector<16xf32>
          %swap3A_354 = vector.shape_cast %mul3A_347 : vector<16xf32> to vector<16xf32>
          tpu.vector_store %swap3A_350[%swap3A_351], %swap3A_354 {strides = array<i32>} : memref<1024xf32, #tpu.memory_space<vmem>>, vector<16xf32>,
          %add3A_355 = arith.constant 224 : i32
          %add3A_356 = arith.addi %mul3A_104, %add3A_355 : i32
          %get3A_357 = arith.constant 0 : i32
          %get3A_358 = tpu.memref_slice %arg4[%scan3A_95, %get3A_357] : memref<16x1024xf32, #tpu.memory_space<vmem>> -> memref<1x1024xf32, #tpu.memory_space<vmem>>
          %get3A_359 = tpu.memref_squeeze %get3A_358 : memref<1x1024xf32, #tpu.memory_space<vmem>> -> memref<1024xf32, #tpu.memory_space<vmem>>
          %get3A_360 = arith.index_cast %add3A_356 : i32 to index
          %get3A_361 = tpu.vector_load %get3A_359[%get3A_360] {strides = array<i32>} : memref<1024xf32, #tpu.memory_space<vmem>>, vector<16xf32>,
          %get3A_362 = vector.shape_cast %get3A_361 : vector<16xf32> to vector<16xf32>
          %mul3A_363 = arith.constant 3.125000e-02 : f32
          %mul3A_364 = vector.broadcast %mul3A_363 : f32 to vector<16xf32>
          %mul3A_365 = arith.mulf %get3A_362, %mul3A_364 : vector<16xf32>
          %swap3A_366 = arith.constant 0 : i32
          %swap3A_367 = tpu.memref_slice %arg6[%scan3A_95, %swap3A_366] : memref<16x1024xf32, #tpu.memory_space<vmem>> -> memref<1x1024xf32, #tpu.memory_space<vmem>>
          %swap3A_368 = tpu.memref_squeeze %swap3A_367 : memref<1x1024xf32, #tpu.memory_space<vmem>> -> memref<1024xf32, #tpu.memory_space<vmem>>
          %swap3A_369 = arith.index_cast %add3A_356 : i32 to index
          %swap3A_370 = tpu.vector_load %swap3A_368[%swap3A_369] {strides = array<i32>} : memref<1024xf32, #tpu.memory_space<vmem>>, vector<16xf32>,
          %swap3A_371 = vector.shape_cast %swap3A_370 : vector<16xf32> to vector<16xf32>
          %swap3A_372 = vector.shape_cast %mul3A_365 : vector<16xf32> to vector<16xf32>
          tpu.vector_store %swap3A_368[%swap3A_369], %swap3A_372 {strides = array<i32>} : memref<1024xf32, #tpu.memory_space<vmem>>, vector<16xf32>,
          %add3A_373 = arith.constant 240 : i32
          %add3A_374 = arith.addi %mul3A_104, %add3A_373 : i32
          %get3A_375 = arith.constant 0 : i32
          %get3A_376 = tpu.memref_slice %arg4[%scan3A_95, %get3A_375] : memref<16x1024xf32, #tpu.memory_space<vmem>> -> memref<1x1024xf32, #tpu.memory_space<vmem>>
          %get3A_377 = tpu.memref_squeeze %get3A_376 : memref<1x1024xf32, #tpu.memory_space<vmem>> -> memref<1024xf32, #tpu.memory_space<vmem>>
          %get3A_378 = arith.index_cast %add3A_374 : i32 to index
          %get3A_379 = tpu.vector_load %get3A_377[%get3A_378] {strides = array<i32>} : memref<1024xf32, #tpu.memory_space<vmem>>, vector<16xf32>,
          %get3A_380 = vector.shape_cast %get3A_379 : vector<16xf32> to vector<16xf32>
          %mul3A_381 = arith.constant 3.125000e-02 : f32
          %mul3A_382 = vector.broadcast %mul3A_381 : f32 to vector<16xf32>
          %mul3A_383 = arith.mulf %get3A_380, %mul3A_382 : vector<16xf32>
          %swap3A_384 = arith.constant 0 : i32
          %swap3A_385 = tpu.memref_slice %arg6[%scan3A_95, %swap3A_384] : memref<16x1024xf32, #tpu.memory_space<vmem>> -> memref<1x1024xf32, #tpu.memory_space<vmem>>
          %swap3A_386 = tpu.memref_squeeze %swap3A_385 : memref<1x1024xf32, #tpu.memory_space<vmem>> -> memref<1024xf32, #tpu.memory_space<vmem>>
          %swap3A_387 = arith.index_cast %add3A_374 : i32 to index
          %swap3A_388 = tpu.vector_load %swap3A_386[%swap3A_387] {strides = array<i32>} : memref<1024xf32, #tpu.memory_space<vmem>>, vector<16xf32>,
          %swap3A_389 = vector.shape_cast %swap3A_388 : vector<16xf32> to vector<16xf32>
          %swap3A_390 = vector.shape_cast %mul3A_383 : vector<16xf32> to vector<16xf32>
          tpu.vector_store %swap3A_386[%swap3A_387], %swap3A_390 {strides = array<i32>} : memref<1024xf32, #tpu.memory_space<vmem>>, vector<16xf32>,
        }
        %scan3A_101 = arith.constant 4 : i32
      }
      %scan3A_49 = arith.constant 16 : i32
      %mul3A_50 = arith.constant 16 : i32
      %mul3A_51 = arith.muli %add3A_34, %mul3A_50 : i32
      %add3A_52 = arith.addi %mul3A_2, %mul3A_51 : i32
      %dma_start3A_53 = arith.constant 0 : i32
      %dma_start3A_54 = tpu.memref_slice %arg3[%add3A_52, %dma_start3A_53] : memref<4096x1024xf32, #tpu.memory_space<hbm>> -> memref<16x1024xf32, #tpu.memory_space<hbm>>
      %dma_start3A_55 = arith.constant 0 : i32
      %dma_start3A_56 = tpu.memref_slice %arg3[%add3A_52, %dma_start3A_55] : memref<4096x1024xf32, #tpu.memory_space<hbm>> -> memref<16x1024xf32, #tpu.memory_space<hbm>>
      tpu.enqueue_dma source(%arg6 : memref<16x1024xf32, #tpu.memory_space<vmem>>) target(%dma_start3A_56 : memref<16x1024xf32, #tpu.memory_space<hbm>>) target_semaphore(%arg10 : memref<!tpu.dma_semaphore, #tpu.memory_space<semaphore_mem>>)
      %lt3A = arith.constant 3 : i32
      %lt3A_57 = arith.cmpi slt, %scan3A_30, %lt3A : i32
      %convert_element_type3A_58 = arith.extui %lt3A_57 : i1 to i32
      %cond3A_59 = arith.constant 0 : i32
      %cond3A_60 = arith.cmpi ne, %convert_element_type3A_58, %cond3A_59 : i32
      scf.if %cond3A_60 {
        %add3A_95 = arith.constant 2 : i32
        %add3A_96 = arith.addi %add3A_34, %add3A_95 : i32
        %mul3A_97 = arith.constant 16 : i32
        %mul3A_98 = arith.muli %add3A_96, %mul3A_97 : i32
        %add3A_99 = arith.addi %mul3A_2, %mul3A_98 : i32
        %dma_start3A_100 = arith.constant 0 : i32
        %dma_start3A_101 = tpu.memref_slice %arg2[%add3A_99, %dma_start3A_100] : memref<8192x1024xf32, #tpu.memory_space<hbm>> -> memref<16x1024xf32, #tpu.memory_space<hbm>>
        %dma_start3A_102 = arith.constant 0 : i32
        %dma_start3A_103 = tpu.memref_slice %arg2[%add3A_99, %dma_start3A_102] : memref<8192x1024xf32, #tpu.memory_space<hbm>> -> memref<16x1024xf32, #tpu.memory_space<hbm>>
        tpu.enqueue_dma source(%dma_start3A_103 : memref<16x1024xf32, #tpu.memory_space<hbm>>) target(%arg4 : memref<16x1024xf32, #tpu.memory_space<vmem>>) target_semaphore(%arg8 : memref<!tpu.dma_semaphore, #tpu.memory_space<semaphore_mem>>)
      } else {
      }
      %mul3A_61 = arith.constant 2 : i32
      %mul3A_62 = arith.muli %scan3A_30, %mul3A_61 : i32
      %add3A_63 = arith.constant 1 : i32
      %add3A_64 = arith.addi %mul3A_62, %add3A_63 : i32
      %ge3A_65 = arith.constant 1 : i32
      %ge3A_66 = arith.cmpi sge, %scan3A_30, %ge3A_65 : i32
      %convert_element_type3A_67 = arith.extui %ge3A_66 : i1 to i32
      %cond3A_68 = arith.constant 0 : i32
      %cond3A_69 = arith.cmpi ne, %convert_element_type3A_67, %cond3A_68 : i32
      scf.if %cond3A_69 {
        %sub3A = arith.constant 2 : i32
        %sub3A_95 = arith.subi %add3A_64, %sub3A : i32
        %mul3A_96 = arith.constant 16 : i32
        %mul3A_97 = arith.muli %sub3A_95, %mul3A_96 : i32
        %add3A_98 = arith.addi %mul3A_2, %mul3A_97 : i32
        %dma_wait3A_99 = arith.constant 0 : i32
        %dma_wait3A_100 = tpu.memref_slice %arg3[%add3A_98, %dma_wait3A_99] : memref<4096x1024xf32, #tpu.memory_space<hbm>> -> memref<16x1024xf32, #tpu.memory_space<hbm>>
        %dma_wait3A_101 = arith.constant 0 : i32
        %dma_wait3A_102 = tpu.memref_slice %arg3[%add3A_98, %dma_wait3A_101] : memref<4096x1024xf32, #tpu.memory_space<hbm>> -> memref<16x1024xf32, #tpu.memory_space<hbm>>
        tpu.wait_dma2 semaphore(%arg11 : memref<!tpu.dma_semaphore, #tpu.memory_space<semaphore_mem>>) src(%arg7 : memref<16x1024xf32, #tpu.memory_space<vmem>>) dst(%dma_wait3A_102 : memref<16x1024xf32, #tpu.memory_space<hbm>>)
      } else {
      }
      %mul3A_70 = arith.constant 16 : i32
      %mul3A_71 = arith.muli %add3A_64, %mul3A_70 : i32
      %add3A_72 = arith.addi %mul3A_2, %mul3A_71 : i32
      %dma_wait3A_73 = arith.constant 0 : i32
      %dma_wait3A_74 = tpu.memref_slice %arg2[%add3A_72, %dma_wait3A_73] : memref<8192x1024xf32, #tpu.memory_space<hbm>> -> memref<16x1024xf32, #tpu.memory_space<hbm>>
      %dma_wait3A_75 = arith.constant 0 : i32
      %dma_wait3A_76 = tpu.memref_slice %arg2[%add3A_72, %dma_wait3A_75] : memref<8192x1024xf32, #tpu.memory_space<hbm>> -> memref<16x1024xf32, #tpu.memory_space<hbm>>
      tpu.wait_dma2 semaphore(%arg9 : memref<!tpu.dma_semaphore, #tpu.memory_space<semaphore_mem>>) src(%dma_wait3A_76 : memref<16x1024xf32, #tpu.memory_space<hbm>>) dst(%arg5 : memref<16x1024xf32, #tpu.memory_space<vmem>>)
      %scan3A_77 = arith.constant 0 : i32
      %scan3A_78 = arith.constant 0 : i32
      %scan3A_79 = arith.constant 16 : i32
      %scan3A_80 = arith.addi %scan3A_78, %scan3A_79 : i32
      %scan3A_81 = arith.constant 1 : i32
      scf.for %scan3A_95 = %scan3A_78 to %scan3A_80 step %scan3A_81  : i32 {
        %scan3A_96 = arith.constant 0 : i32
        %scan3A_97 = arith.constant 0 : i32
        %scan3A_98 = arith.constant 4 : i32
        %scan3A_99 = arith.addi %scan3A_97, %scan3A_98 : i32
        %scan3A_100 = arith.constant 1 : i32
        scf.for %scan3A_102 = %scan3A_97 to %scan3A_99 step %scan3A_100  : i32 {
          %mul3A_103 = arith.constant 256 : i32
          %mul3A_104 = arith.muli %scan3A_102, %mul3A_103 : i32
          %add3A_105 = arith.constant 0 : i32
          %add3A_106 = arith.addi %mul3A_104, %add3A_105 : i32
          %get3A = arith.constant 0 : i32
          %get3A_107 = tpu.memref_slice %arg5[%scan3A_95, %get3A] : memref<16x1024xf32, #tpu.memory_space<vmem>> -> memref<1x1024xf32, #tpu.memory_space<vmem>>
          %get3A_108 = tpu.memref_squeeze %get3A_107 : memref<1x1024xf32, #tpu.memory_space<vmem>> -> memref<1024xf32, #tpu.memory_space<vmem>>
          %get3A_109 = arith.index_cast %add3A_106 : i32 to index
          %get3A_110 = tpu.vector_load %get3A_108[%get3A_109] {strides = array<i32>} : memref<1024xf32, #tpu.memory_space<vmem>>, vector<16xf32>,
          %get3A_111 = vector.shape_cast %get3A_110 : vector<16xf32> to vector<16xf32>
          %mul3A_112 = arith.constant 3.125000e-02 : f32
          %mul3A_113 = vector.broadcast %mul3A_112 : f32 to vector<16xf32>
          %mul3A_114 = arith.mulf %get3A_111, %mul3A_113 : vector<16xf32>
          %swap3A = arith.constant 0 : i32
          %swap3A_115 = tpu.memref_slice %arg7[%scan3A_95, %swap3A] : memref<16x1024xf32, #tpu.memory_space<vmem>> -> memref<1x1024xf32, #tpu.memory_space<vmem>>
          %swap3A_116 = tpu.memref_squeeze %swap3A_115 : memref<1x1024xf32, #tpu.memory_space<vmem>> -> memref<1024xf32, #tpu.memory_space<vmem>>
          %swap3A_117 = arith.index_cast %add3A_106 : i32 to index
          %swap3A_118 = tpu.vector_load %swap3A_116[%swap3A_117] {strides = array<i32>} : memref<1024xf32, #tpu.memory_space<vmem>>, vector<16xf32>,
          %swap3A_119 = vector.shape_cast %swap3A_118 : vector<16xf32> to vector<16xf32>
          %swap3A_120 = vector.shape_cast %mul3A_114 : vector<16xf32> to vector<16xf32>
          tpu.vector_store %swap3A_116[%swap3A_117], %swap3A_120 {strides = array<i32>} : memref<1024xf32, #tpu.memory_space<vmem>>, vector<16xf32>,
          %add3A_121 = arith.constant 16 : i32
          %add3A_122 = arith.addi %mul3A_104, %add3A_121 : i32
          %get3A_123 = arith.constant 0 : i32
          %get3A_124 = tpu.memref_slice %arg5[%scan3A_95, %get3A_123] : memref<16x1024xf32, #tpu.memory_space<vmem>> -> memref<1x1024xf32, #tpu.memory_space<vmem>>
          %get3A_125 = tpu.memref_squeeze %get3A_124 : memref<1x1024xf32, #tpu.memory_space<vmem>> -> memref<1024xf32, #tpu.memory_space<vmem>>
          %get3A_126 = arith.index_cast %add3A_122 : i32 to index
          %get3A_127 = tpu.vector_load %get3A_125[%get3A_126] {strides = array<i32>} : memref<1024xf32, #tpu.memory_space<vmem>>, vector<16xf32>,
          %get3A_128 = vector.shape_cast %get3A_127 : vector<16xf32> to vector<16xf32>
          %mul3A_129 = arith.constant 3.125000e-02 : f32
          %mul3A_130 = vector.broadcast %mul3A_129 : f32 to vector<16xf32>
          %mul3A_131 = arith.mulf %get3A_128, %mul3A_130 : vector<16xf32>
          %swap3A_132 = arith.constant 0 : i32
          %swap3A_133 = tpu.memref_slice %arg7[%scan3A_95, %swap3A_132] : memref<16x1024xf32, #tpu.memory_space<vmem>> -> memref<1x1024xf32, #tpu.memory_space<vmem>>
          %swap3A_134 = tpu.memref_squeeze %swap3A_133 : memref<1x1024xf32, #tpu.memory_space<vmem>> -> memref<1024xf32, #tpu.memory_space<vmem>>
          %swap3A_135 = arith.index_cast %add3A_122 : i32 to index
          %swap3A_136 = tpu.vector_load %swap3A_134[%swap3A_135] {strides = array<i32>} : memref<1024xf32, #tpu.memory_space<vmem>>, vector<16xf32>,
          %swap3A_137 = vector.shape_cast %swap3A_136 : vector<16xf32> to vector<16xf32>
          %swap3A_138 = vector.shape_cast %mul3A_131 : vector<16xf32> to vector<16xf32>
          tpu.vector_store %swap3A_134[%swap3A_135], %swap3A_138 {strides = array<i32>} : memref<1024xf32, #tpu.memory_space<vmem>>, vector<16xf32>,
          %add3A_139 = arith.constant 32 : i32
          %add3A_140 = arith.addi %mul3A_104, %add3A_139 : i32
          %get3A_141 = arith.constant 0 : i32
          %get3A_142 = tpu.memref_slice %arg5[%scan3A_95, %get3A_141] : memref<16x1024xf32, #tpu.memory_space<vmem>> -> memref<1x1024xf32, #tpu.memory_space<vmem>>
          %get3A_143 = tpu.memref_squeeze %get3A_142 : memref<1x1024xf32, #tpu.memory_space<vmem>> -> memref<1024xf32, #tpu.memory_space<vmem>>
          %get3A_144 = arith.index_cast %add3A_140 : i32 to index
          %get3A_145 = tpu.vector_load %get3A_143[%get3A_144] {strides = array<i32>} : memref<1024xf32, #tpu.memory_space<vmem>>, vector<16xf32>,
          %get3A_146 = vector.shape_cast %get3A_145 : vector<16xf32> to vector<16xf32>
          %mul3A_147 = arith.constant 3.125000e-02 : f32
          %mul3A_148 = vector.broadcast %mul3A_147 : f32 to vector<16xf32>
          %mul3A_149 = arith.mulf %get3A_146, %mul3A_148 : vector<16xf32>
          %swap3A_150 = arith.constant 0 : i32
          %swap3A_151 = tpu.memref_slice %arg7[%scan3A_95, %swap3A_150] : memref<16x1024xf32, #tpu.memory_space<vmem>> -> memref<1x1024xf32, #tpu.memory_space<vmem>>
          %swap3A_152 = tpu.memref_squeeze %swap3A_151 : memref<1x1024xf32, #tpu.memory_space<vmem>> -> memref<1024xf32, #tpu.memory_space<vmem>>
          %swap3A_153 = arith.index_cast %add3A_140 : i32 to index
          %swap3A_154 = tpu.vector_load %swap3A_152[%swap3A_153] {strides = array<i32>} : memref<1024xf32, #tpu.memory_space<vmem>>, vector<16xf32>,
          %swap3A_155 = vector.shape_cast %swap3A_154 : vector<16xf32> to vector<16xf32>
          %swap3A_156 = vector.shape_cast %mul3A_149 : vector<16xf32> to vector<16xf32>
          tpu.vector_store %swap3A_152[%swap3A_153], %swap3A_156 {strides = array<i32>} : memref<1024xf32, #tpu.memory_space<vmem>>, vector<16xf32>,
          %add3A_157 = arith.constant 48 : i32
          %add3A_158 = arith.addi %mul3A_104, %add3A_157 : i32
          %get3A_159 = arith.constant 0 : i32
          %get3A_160 = tpu.memref_slice %arg5[%scan3A_95, %get3A_159] : memref<16x1024xf32, #tpu.memory_space<vmem>> -> memref<1x1024xf32, #tpu.memory_space<vmem>>
          %get3A_161 = tpu.memref_squeeze %get3A_160 : memref<1x1024xf32, #tpu.memory_space<vmem>> -> memref<1024xf32, #tpu.memory_space<vmem>>
          %get3A_162 = arith.index_cast %add3A_158 : i32 to index
          %get3A_163 = tpu.vector_load %get3A_161[%get3A_162] {strides = array<i32>} : memref<1024xf32, #tpu.memory_space<vmem>>, vector<16xf32>,
          %get3A_164 = vector.shape_cast %get3A_163 : vector<16xf32> to vector<16xf32>
          %mul3A_165 = arith.constant 3.125000e-02 : f32
          %mul3A_166 = vector.broadcast %mul3A_165 : f32 to vector<16xf32>
          %mul3A_167 = arith.mulf %get3A_164, %mul3A_166 : vector<16xf32>
          %swap3A_168 = arith.constant 0 : i32
          %swap3A_169 = tpu.memref_slice %arg7[%scan3A_95, %swap3A_168] : memref<16x1024xf32, #tpu.memory_space<vmem>> -> memref<1x1024xf32, #tpu.memory_space<vmem>>
          %swap3A_170 = tpu.memref_squeeze %swap3A_169 : memref<1x1024xf32, #tpu.memory_space<vmem>> -> memref<1024xf32, #tpu.memory_space<vmem>>
          %swap3A_171 = arith.index_cast %add3A_158 : i32 to index
          %swap3A_172 = tpu.vector_load %swap3A_170[%swap3A_171] {strides = array<i32>} : memref<1024xf32, #tpu.memory_space<vmem>>, vector<16xf32>,
          %swap3A_173 = vector.shape_cast %swap3A_172 : vector<16xf32> to vector<16xf32>
          %swap3A_174 = vector.shape_cast %mul3A_167 : vector<16xf32> to vector<16xf32>
          tpu.vector_store %swap3A_170[%swap3A_171], %swap3A_174 {strides = array<i32>} : memref<1024xf32, #tpu.memory_space<vmem>>, vector<16xf32>,
          %add3A_175 = arith.constant 64 : i32
          %add3A_176 = arith.addi %mul3A_104, %add3A_175 : i32
          %get3A_177 = arith.constant 0 : i32
          %get3A_178 = tpu.memref_slice %arg5[%scan3A_95, %get3A_177] : memref<16x1024xf32, #tpu.memory_space<vmem>> -> memref<1x1024xf32, #tpu.memory_space<vmem>>
          %get3A_179 = tpu.memref_squeeze %get3A_178 : memref<1x1024xf32, #tpu.memory_space<vmem>> -> memref<1024xf32, #tpu.memory_space<vmem>>
          %get3A_180 = arith.index_cast %add3A_176 : i32 to index
          %get3A_181 = tpu.vector_load %get3A_179[%get3A_180] {strides = array<i32>} : memref<1024xf32, #tpu.memory_space<vmem>>, vector<16xf32>,
          %get3A_182 = vector.shape_cast %get3A_181 : vector<16xf32> to vector<16xf32>
          %mul3A_183 = arith.constant 3.125000e-02 : f32
          %mul3A_184 = vector.broadcast %mul3A_183 : f32 to vector<16xf32>
          %mul3A_185 = arith.mulf %get3A_182, %mul3A_184 : vector<16xf32>
          %swap3A_186 = arith.constant 0 : i32
          %swap3A_187 = tpu.memref_slice %arg7[%scan3A_95, %swap3A_186] : memref<16x1024xf32, #tpu.memory_space<vmem>> -> memref<1x1024xf32, #tpu.memory_space<vmem>>
          %swap3A_188 = tpu.memref_squeeze %swap3A_187 : memref<1x1024xf32, #tpu.memory_space<vmem>> -> memref<1024xf32, #tpu.memory_space<vmem>>
          %swap3A_189 = arith.index_cast %add3A_176 : i32 to index
          %swap3A_190 = tpu.vector_load %swap3A_188[%swap3A_189] {strides = array<i32>} : memref<1024xf32, #tpu.memory_space<vmem>>, vector<16xf32>,
          %swap3A_191 = vector.shape_cast %swap3A_190 : vector<16xf32> to vector<16xf32>
          %swap3A_192 = vector.shape_cast %mul3A_185 : vector<16xf32> to vector<16xf32>
          tpu.vector_store %swap3A_188[%swap3A_189], %swap3A_192 {strides = array<i32>} : memref<1024xf32, #tpu.memory_space<vmem>>, vector<16xf32>,
          %add3A_193 = arith.constant 80 : i32
          %add3A_194 = arith.addi %mul3A_104, %add3A_193 : i32
          %get3A_195 = arith.constant 0 : i32
          %get3A_196 = tpu.memref_slice %arg5[%scan3A_95, %get3A_195] : memref<16x1024xf32, #tpu.memory_space<vmem>> -> memref<1x1024xf32, #tpu.memory_space<vmem>>
          %get3A_197 = tpu.memref_squeeze %get3A_196 : memref<1x1024xf32, #tpu.memory_space<vmem>> -> memref<1024xf32, #tpu.memory_space<vmem>>
          %get3A_198 = arith.index_cast %add3A_194 : i32 to index
          %get3A_199 = tpu.vector_load %get3A_197[%get3A_198] {strides = array<i32>} : memref<1024xf32, #tpu.memory_space<vmem>>, vector<16xf32>,
          %get3A_200 = vector.shape_cast %get3A_199 : vector<16xf32> to vector<16xf32>
          %mul3A_201 = arith.constant 3.125000e-02 : f32
          %mul3A_202 = vector.broadcast %mul3A_201 : f32 to vector<16xf32>
          %mul3A_203 = arith.mulf %get3A_200, %mul3A_202 : vector<16xf32>
          %swap3A_204 = arith.constant 0 : i32
          %swap3A_205 = tpu.memref_slice %arg7[%scan3A_95, %swap3A_204] : memref<16x1024xf32, #tpu.memory_space<vmem>> -> memref<1x1024xf32, #tpu.memory_space<vmem>>
          %swap3A_206 = tpu.memref_squeeze %swap3A_205 : memref<1x1024xf32, #tpu.memory_space<vmem>> -> memref<1024xf32, #tpu.memory_space<vmem>>
          %swap3A_207 = arith.index_cast %add3A_194 : i32 to index
          %swap3A_208 = tpu.vector_load %swap3A_206[%swap3A_207] {strides = array<i32>} : memref<1024xf32, #tpu.memory_space<vmem>>, vector<16xf32>,
          %swap3A_209 = vector.shape_cast %swap3A_208 : vector<16xf32> to vector<16xf32>
          %swap3A_210 = vector.shape_cast %mul3A_203 : vector<16xf32> to vector<16xf32>
          tpu.vector_store %swap3A_206[%swap3A_207], %swap3A_210 {strides = array<i32>} : memref<1024xf32, #tpu.memory_space<vmem>>, vector<16xf32>,
          %add3A_211 = arith.constant 96 : i32
          %add3A_212 = arith.addi %mul3A_104, %add3A_211 : i32
          %get3A_213 = arith.constant 0 : i32
          %get3A_214 = tpu.memref_slice %arg5[%scan3A_95, %get3A_213] : memref<16x1024xf32, #tpu.memory_space<vmem>> -> memref<1x1024xf32, #tpu.memory_space<vmem>>
          %get3A_215 = tpu.memref_squeeze %get3A_214 : memref<1x1024xf32, #tpu.memory_space<vmem>> -> memref<1024xf32, #tpu.memory_space<vmem>>
          %get3A_216 = arith.index_cast %add3A_212 : i32 to index
          %get3A_217 = tpu.vector_load %get3A_215[%get3A_216] {strides = array<i32>} : memref<1024xf32, #tpu.memory_space<vmem>>, vector<16xf32>,
          %get3A_218 = vector.shape_cast %get3A_217 : vector<16xf32> to vector<16xf32>
          %mul3A_219 = arith.constant 3.125000e-02 : f32
          %mul3A_220 = vector.broadcast %mul3A_219 : f32 to vector<16xf32>
          %mul3A_221 = arith.mulf %get3A_218, %mul3A_220 : vector<16xf32>
          %swap3A_222 = arith.constant 0 : i32
          %swap3A_223 = tpu.memref_slice %arg7[%scan3A_95, %swap3A_222] : memref<16x1024xf32, #tpu.memory_space<vmem>> -> memref<1x1024xf32, #tpu.memory_space<vmem>>
          %swap3A_224 = tpu.memref_squeeze %swap3A_223 : memref<1x1024xf32, #tpu.memory_space<vmem>> -> memref<1024xf32, #tpu.memory_space<vmem>>
          %swap3A_225 = arith.index_cast %add3A_212 : i32 to index
          %swap3A_226 = tpu.vector_load %swap3A_224[%swap3A_225] {strides = array<i32>} : memref<1024xf32, #tpu.memory_space<vmem>>, vector<16xf32>,
          %swap3A_227 = vector.shape_cast %swap3A_226 : vector<16xf32> to vector<16xf32>
          %swap3A_228 = vector.shape_cast %mul3A_221 : vector<16xf32> to vector<16xf32>
          tpu.vector_store %swap3A_224[%swap3A_225], %swap3A_228 {strides = array<i32>} : memref<1024xf32, #tpu.memory_space<vmem>>, vector<16xf32>,
          %add3A_229 = arith.constant 112 : i32
          %add3A_230 = arith.addi %mul3A_104, %add3A_229 : i32
          %get3A_231 = arith.constant 0 : i32
          %get3A_232 = tpu.memref_slice %arg5[%scan3A_95, %get3A_231] : memref<16x1024xf32, #tpu.memory_space<vmem>> -> memref<1x1024xf32, #tpu.memory_space<vmem>>
          %get3A_233 = tpu.memref_squeeze %get3A_232 : memref<1x1024xf32, #tpu.memory_space<vmem>> -> memref<1024xf32, #tpu.memory_space<vmem>>
          %get3A_234 = arith.index_cast %add3A_230 : i32 to index
          %get3A_235 = tpu.vector_load %get3A_233[%get3A_234] {strides = array<i32>} : memref<1024xf32, #tpu.memory_space<vmem>>, vector<16xf32>,
          %get3A_236 = vector.shape_cast %get3A_235 : vector<16xf32> to vector<16xf32>
          %mul3A_237 = arith.constant 3.125000e-02 : f32
          %mul3A_238 = vector.broadcast %mul3A_237 : f32 to vector<16xf32>
          %mul3A_239 = arith.mulf %get3A_236, %mul3A_238 : vector<16xf32>
          %swap3A_240 = arith.constant 0 : i32
          %swap3A_241 = tpu.memref_slice %arg7[%scan3A_95, %swap3A_240] : memref<16x1024xf32, #tpu.memory_space<vmem>> -> memref<1x1024xf32, #tpu.memory_space<vmem>>
          %swap3A_242 = tpu.memref_squeeze %swap3A_241 : memref<1x1024xf32, #tpu.memory_space<vmem>> -> memref<1024xf32, #tpu.memory_space<vmem>>
          %swap3A_243 = arith.index_cast %add3A_230 : i32 to index
          %swap3A_244 = tpu.vector_load %swap3A_242[%swap3A_243] {strides = array<i32>} : memref<1024xf32, #tpu.memory_space<vmem>>, vector<16xf32>,
          %swap3A_245 = vector.shape_cast %swap3A_244 : vector<16xf32> to vector<16xf32>
          %swap3A_246 = vector.shape_cast %mul3A_239 : vector<16xf32> to vector<16xf32>
          tpu.vector_store %swap3A_242[%swap3A_243], %swap3A_246 {strides = array<i32>} : memref<1024xf32, #tpu.memory_space<vmem>>, vector<16xf32>,
          %add3A_247 = arith.constant 128 : i32
          %add3A_248 = arith.addi %mul3A_104, %add3A_247 : i32
          %get3A_249 = arith.constant 0 : i32
          %get3A_250 = tpu.memref_slice %arg5[%scan3A_95, %get3A_249] : memref<16x1024xf32, #tpu.memory_space<vmem>> -> memref<1x1024xf32, #tpu.memory_space<vmem>>
          %get3A_251 = tpu.memref_squeeze %get3A_250 : memref<1x1024xf32, #tpu.memory_space<vmem>> -> memref<1024xf32, #tpu.memory_space<vmem>>
          %get3A_252 = arith.index_cast %add3A_248 : i32 to index
          %get3A_253 = tpu.vector_load %get3A_251[%get3A_252] {strides = array<i32>} : memref<1024xf32, #tpu.memory_space<vmem>>, vector<16xf32>,
          %get3A_254 = vector.shape_cast %get3A_253 : vector<16xf32> to vector<16xf32>
          %mul3A_255 = arith.constant 3.125000e-02 : f32
          %mul3A_256 = vector.broadcast %mul3A_255 : f32 to vector<16xf32>
          %mul3A_257 = arith.mulf %get3A_254, %mul3A_256 : vector<16xf32>
          %swap3A_258 = arith.constant 0 : i32
          %swap3A_259 = tpu.memref_slice %arg7[%scan3A_95, %swap3A_258] : memref<16x1024xf32, #tpu.memory_space<vmem>> -> memref<1x1024xf32, #tpu.memory_space<vmem>>
          %swap3A_260 = tpu.memref_squeeze %swap3A_259 : memref<1x1024xf32, #tpu.memory_space<vmem>> -> memref<1024xf32, #tpu.memory_space<vmem>>
          %swap3A_261 = arith.index_cast %add3A_248 : i32 to index
          %swap3A_262 = tpu.vector_load %swap3A_260[%swap3A_261] {strides = array<i32>} : memref<1024xf32, #tpu.memory_space<vmem>>, vector<16xf32>,
          %swap3A_263 = vector.shape_cast %swap3A_262 : vector<16xf32> to vector<16xf32>
          %swap3A_264 = vector.shape_cast %mul3A_257 : vector<16xf32> to vector<16xf32>
          tpu.vector_store %swap3A_260[%swap3A_261], %swap3A_264 {strides = array<i32>} : memref<1024xf32, #tpu.memory_space<vmem>>, vector<16xf32>,
          %add3A_265 = arith.constant 144 : i32
          %add3A_266 = arith.addi %mul3A_104, %add3A_265 : i32
          %get3A_267 = arith.constant 0 : i32
          %get3A_268 = tpu.memref_slice %arg5[%scan3A_95, %get3A_267] : memref<16x1024xf32, #tpu.memory_space<vmem>> -> memref<1x1024xf32, #tpu.memory_space<vmem>>
          %get3A_269 = tpu.memref_squeeze %get3A_268 : memref<1x1024xf32, #tpu.memory_space<vmem>> -> memref<1024xf32, #tpu.memory_space<vmem>>
          %get3A_270 = arith.index_cast %add3A_266 : i32 to index
          %get3A_271 = tpu.vector_load %get3A_269[%get3A_270] {strides = array<i32>} : memref<1024xf32, #tpu.memory_space<vmem>>, vector<16xf32>,
          %get3A_272 = vector.shape_cast %get3A_271 : vector<16xf32> to vector<16xf32>
          %mul3A_273 = arith.constant 3.125000e-02 : f32
          %mul3A_274 = vector.broadcast %mul3A_273 : f32 to vector<16xf32>
          %mul3A_275 = arith.mulf %get3A_272, %mul3A_274 : vector<16xf32>
          %swap3A_276 = arith.constant 0 : i32
          %swap3A_277 = tpu.memref_slice %arg7[%scan3A_95, %swap3A_276] : memref<16x1024xf32, #tpu.memory_space<vmem>> -> memref<1x1024xf32, #tpu.memory_space<vmem>>
          %swap3A_278 = tpu.memref_squeeze %swap3A_277 : memref<1x1024xf32, #tpu.memory_space<vmem>> -> memref<1024xf32, #tpu.memory_space<vmem>>
          %swap3A_279 = arith.index_cast %add3A_266 : i32 to index
          %swap3A_280 = tpu.vector_load %swap3A_278[%swap3A_279] {strides = array<i32>} : memref<1024xf32, #tpu.memory_space<vmem>>, vector<16xf32>,
          %swap3A_281 = vector.shape_cast %swap3A_280 : vector<16xf32> to vector<16xf32>
          %swap3A_282 = vector.shape_cast %mul3A_275 : vector<16xf32> to vector<16xf32>
          tpu.vector_store %swap3A_278[%swap3A_279], %swap3A_282 {strides = array<i32>} : memref<1024xf32, #tpu.memory_space<vmem>>, vector<16xf32>,
          %add3A_283 = arith.constant 160 : i32
          %add3A_284 = arith.addi %mul3A_104, %add3A_283 : i32
          %get3A_285 = arith.constant 0 : i32
          %get3A_286 = tpu.memref_slice %arg5[%scan3A_95, %get3A_285] : memref<16x1024xf32, #tpu.memory_space<vmem>> -> memref<1x1024xf32, #tpu.memory_space<vmem>>
          %get3A_287 = tpu.memref_squeeze %get3A_286 : memref<1x1024xf32, #tpu.memory_space<vmem>> -> memref<1024xf32, #tpu.memory_space<vmem>>
          %get3A_288 = arith.index_cast %add3A_284 : i32 to index
          %get3A_289 = tpu.vector_load %get3A_287[%get3A_288] {strides = array<i32>} : memref<1024xf32, #tpu.memory_space<vmem>>, vector<16xf32>,
          %get3A_290 = vector.shape_cast %get3A_289 : vector<16xf32> to vector<16xf32>
          %mul3A_291 = arith.constant 3.125000e-02 : f32
          %mul3A_292 = vector.broadcast %mul3A_291 : f32 to vector<16xf32>
          %mul3A_293 = arith.mulf %get3A_290, %mul3A_292 : vector<16xf32>
          %swap3A_294 = arith.constant 0 : i32
          %swap3A_295 = tpu.memref_slice %arg7[%scan3A_95, %swap3A_294] : memref<16x1024xf32, #tpu.memory_space<vmem>> -> memref<1x1024xf32, #tpu.memory_space<vmem>>
          %swap3A_296 = tpu.memref_squeeze %swap3A_295 : memref<1x1024xf32, #tpu.memory_space<vmem>> -> memref<1024xf32, #tpu.memory_space<vmem>>
          %swap3A_297 = arith.index_cast %add3A_284 : i32 to index
          %swap3A_298 = tpu.vector_load %swap3A_296[%swap3A_297] {strides = array<i32>} : memref<1024xf32, #tpu.memory_space<vmem>>, vector<16xf32>,
          %swap3A_299 = vector.shape_cast %swap3A_298 : vector<16xf32> to vector<16xf32>
          %swap3A_300 = vector.shape_cast %mul3A_293 : vector<16xf32> to vector<16xf32>
          tpu.vector_store %swap3A_296[%swap3A_297], %swap3A_300 {strides = array<i32>} : memref<1024xf32, #tpu.memory_space<vmem>>, vector<16xf32>,
          %add3A_301 = arith.constant 176 : i32
          %add3A_302 = arith.addi %mul3A_104, %add3A_301 : i32
          %get3A_303 = arith.constant 0 : i32
          %get3A_304 = tpu.memref_slice %arg5[%scan3A_95, %get3A_303] : memref<16x1024xf32, #tpu.memory_space<vmem>> -> memref<1x1024xf32, #tpu.memory_space<vmem>>
          %get3A_305 = tpu.memref_squeeze %get3A_304 : memref<1x1024xf32, #tpu.memory_space<vmem>> -> memref<1024xf32, #tpu.memory_space<vmem>>
          %get3A_306 = arith.index_cast %add3A_302 : i32 to index
          %get3A_307 = tpu.vector_load %get3A_305[%get3A_306] {strides = array<i32>} : memref<1024xf32, #tpu.memory_space<vmem>>, vector<16xf32>,
          %get3A_308 = vector.shape_cast %get3A_307 : vector<16xf32> to vector<16xf32>
          %mul3A_309 = arith.constant 3.125000e-02 : f32
          %mul3A_310 = vector.broadcast %mul3A_309 : f32 to vector<16xf32>
          %mul3A_311 = arith.mulf %get3A_308, %mul3A_310 : vector<16xf32>
          %swap3A_312 = arith.constant 0 : i32
          %swap3A_313 = tpu.memref_slice %arg7[%scan3A_95, %swap3A_312] : memref<16x1024xf32, #tpu.memory_space<vmem>> -> memref<1x1024xf32, #tpu.memory_space<vmem>>
          %swap3A_314 = tpu.memref_squeeze %swap3A_313 : memref<1x1024xf32, #tpu.memory_space<vmem>> -> memref<1024xf32, #tpu.memory_space<vmem>>
          %swap3A_315 = arith.index_cast %add3A_302 : i32 to index
          %swap3A_316 = tpu.vector_load %swap3A_314[%swap3A_315] {strides = array<i32>} : memref<1024xf32, #tpu.memory_space<vmem>>, vector<16xf32>,
          %swap3A_317 = vector.shape_cast %swap3A_316 : vector<16xf32> to vector<16xf32>
          %swap3A_318 = vector.shape_cast %mul3A_311 : vector<16xf32> to vector<16xf32>
          tpu.vector_store %swap3A_314[%swap3A_315], %swap3A_318 {strides = array<i32>} : memref<1024xf32, #tpu.memory_space<vmem>>, vector<16xf32>,
          %add3A_319 = arith.constant 192 : i32
          %add3A_320 = arith.addi %mul3A_104, %add3A_319 : i32
          %get3A_321 = arith.constant 0 : i32
          %get3A_322 = tpu.memref_slice %arg5[%scan3A_95, %get3A_321] : memref<16x1024xf32, #tpu.memory_space<vmem>> -> memref<1x1024xf32, #tpu.memory_space<vmem>>
          %get3A_323 = tpu.memref_squeeze %get3A_322 : memref<1x1024xf32, #tpu.memory_space<vmem>> -> memref<1024xf32, #tpu.memory_space<vmem>>
          %get3A_324 = arith.index_cast %add3A_320 : i32 to index
          %get3A_325 = tpu.vector_load %get3A_323[%get3A_324] {strides = array<i32>} : memref<1024xf32, #tpu.memory_space<vmem>>, vector<16xf32>,
          %get3A_326 = vector.shape_cast %get3A_325 : vector<16xf32> to vector<16xf32>
          %mul3A_327 = arith.constant 3.125000e-02 : f32
          %mul3A_328 = vector.broadcast %mul3A_327 : f32 to vector<16xf32>
          %mul3A_329 = arith.mulf %get3A_326, %mul3A_328 : vector<16xf32>
          %swap3A_330 = arith.constant 0 : i32
          %swap3A_331 = tpu.memref_slice %arg7[%scan3A_95, %swap3A_330] : memref<16x1024xf32, #tpu.memory_space<vmem>> -> memref<1x1024xf32, #tpu.memory_space<vmem>>
          %swap3A_332 = tpu.memref_squeeze %swap3A_331 : memref<1x1024xf32, #tpu.memory_space<vmem>> -> memref<1024xf32, #tpu.memory_space<vmem>>
          %swap3A_333 = arith.index_cast %add3A_320 : i32 to index
          %swap3A_334 = tpu.vector_load %swap3A_332[%swap3A_333] {strides = array<i32>} : memref<1024xf32, #tpu.memory_space<vmem>>, vector<16xf32>,
          %swap3A_335 = vector.shape_cast %swap3A_334 : vector<16xf32> to vector<16xf32>
          %swap3A_336 = vector.shape_cast %mul3A_329 : vector<16xf32> to vector<16xf32>
          tpu.vector_store %swap3A_332[%swap3A_333], %swap3A_336 {strides = array<i32>} : memref<1024xf32, #tpu.memory_space<vmem>>, vector<16xf32>,
          %add3A_337 = arith.constant 208 : i32
          %add3A_338 = arith.addi %mul3A_104, %add3A_337 : i32
          %get3A_339 = arith.constant 0 : i32
          %get3A_340 = tpu.memref_slice %arg5[%scan3A_95, %get3A_339] : memref<16x1024xf32, #tpu.memory_space<vmem>> -> memref<1x1024xf32, #tpu.memory_space<vmem>>
          %get3A_341 = tpu.memref_squeeze %get3A_340 : memref<1x1024xf32, #tpu.memory_space<vmem>> -> memref<1024xf32, #tpu.memory_space<vmem>>
          %get3A_342 = arith.index_cast %add3A_338 : i32 to index
          %get3A_343 = tpu.vector_load %get3A_341[%get3A_342] {strides = array<i32>} : memref<1024xf32, #tpu.memory_space<vmem>>, vector<16xf32>,
          %get3A_344 = vector.shape_cast %get3A_343 : vector<16xf32> to vector<16xf32>
          %mul3A_345 = arith.constant 3.125000e-02 : f32
          %mul3A_346 = vector.broadcast %mul3A_345 : f32 to vector<16xf32>
          %mul3A_347 = arith.mulf %get3A_344, %mul3A_346 : vector<16xf32>
          %swap3A_348 = arith.constant 0 : i32
          %swap3A_349 = tpu.memref_slice %arg7[%scan3A_95, %swap3A_348] : memref<16x1024xf32, #tpu.memory_space<vmem>> -> memref<1x1024xf32, #tpu.memory_space<vmem>>
          %swap3A_350 = tpu.memref_squeeze %swap3A_349 : memref<1x1024xf32, #tpu.memory_space<vmem>> -> memref<1024xf32, #tpu.memory_space<vmem>>
          %swap3A_351 = arith.index_cast %add3A_338 : i32 to index
          %swap3A_352 = tpu.vector_load %swap3A_350[%swap3A_351] {strides = array<i32>} : memref<1024xf32, #tpu.memory_space<vmem>>, vector<16xf32>,
          %swap3A_353 = vector.shape_cast %swap3A_352 : vector<16xf32> to vector<16xf32>
          %swap3A_354 = vector.shape_cast %mul3A_347 : vector<16xf32> to vector<16xf32>
          tpu.vector_store %swap3A_350[%swap3A_351], %swap3A_354 {strides = array<i32>} : memref<1024xf32, #tpu.memory_space<vmem>>, vector<16xf32>,
          %add3A_355 = arith.constant 224 : i32
          %add3A_356 = arith.addi %mul3A_104, %add3A_355 : i32
          %get3A_357 = arith.constant 0 : i32
          %get3A_358 = tpu.memref_slice %arg5[%scan3A_95, %get3A_357] : memref<16x1024xf32, #tpu.memory_space<vmem>> -> memref<1x1024xf32, #tpu.memory_space<vmem>>
          %get3A_359 = tpu.memref_squeeze %get3A_358 : memref<1x1024xf32, #tpu.memory_space<vmem>> -> memref<1024xf32, #tpu.memory_space<vmem>>
          %get3A_360 = arith.index_cast %add3A_356 : i32 to index
          %get3A_361 = tpu.vector_load %get3A_359[%get3A_360] {strides = array<i32>} : memref<1024xf32, #tpu.memory_space<vmem>>, vector<16xf32>,
          %get3A_362 = vector.shape_cast %get3A_361 : vector<16xf32> to vector<16xf32>
          %mul3A_363 = arith.constant 3.125000e-02 : f32
          %mul3A_364 = vector.broadcast %mul3A_363 : f32 to vector<16xf32>
          %mul3A_365 = arith.mulf %get3A_362, %mul3A_364 : vector<16xf32>
          %swap3A_366 = arith.constant 0 : i32
          %swap3A_367 = tpu.memref_slice %arg7[%scan3A_95, %swap3A_366] : memref<16x1024xf32, #tpu.memory_space<vmem>> -> memref<1x1024xf32, #tpu.memory_space<vmem>>
          %swap3A_368 = tpu.memref_squeeze %swap3A_367 : memref<1x1024xf32, #tpu.memory_space<vmem>> -> memref<1024xf32, #tpu.memory_space<vmem>>
          %swap3A_369 = arith.index_cast %add3A_356 : i32 to index
          %swap3A_370 = tpu.vector_load %swap3A_368[%swap3A_369] {strides = array<i32>} : memref<1024xf32, #tpu.memory_space<vmem>>, vector<16xf32>,
          %swap3A_371 = vector.shape_cast %swap3A_370 : vector<16xf32> to vector<16xf32>
          %swap3A_372 = vector.shape_cast %mul3A_365 : vector<16xf32> to vector<16xf32>
          tpu.vector_store %swap3A_368[%swap3A_369], %swap3A_372 {strides = array<i32>} : memref<1024xf32, #tpu.memory_space<vmem>>, vector<16xf32>,
          %add3A_373 = arith.constant 240 : i32
          %add3A_374 = arith.addi %mul3A_104, %add3A_373 : i32
          %get3A_375 = arith.constant 0 : i32
          %get3A_376 = tpu.memref_slice %arg5[%scan3A_95, %get3A_375] : memref<16x1024xf32, #tpu.memory_space<vmem>> -> memref<1x1024xf32, #tpu.memory_space<vmem>>
          %get3A_377 = tpu.memref_squeeze %get3A_376 : memref<1x1024xf32, #tpu.memory_space<vmem>> -> memref<1024xf32, #tpu.memory_space<vmem>>
          %get3A_378 = arith.index_cast %add3A_374 : i32 to index
          %get3A_379 = tpu.vector_load %get3A_377[%get3A_378] {strides = array<i32>} : memref<1024xf32, #tpu.memory_space<vmem>>, vector<16xf32>,
          %get3A_380 = vector.shape_cast %get3A_379 : vector<16xf32> to vector<16xf32>
          %mul3A_381 = arith.constant 3.125000e-02 : f32
          %mul3A_382 = vector.broadcast %mul3A_381 : f32 to vector<16xf32>
          %mul3A_383 = arith.mulf %get3A_380, %mul3A_382 : vector<16xf32>
          %swap3A_384 = arith.constant 0 : i32
          %swap3A_385 = tpu.memref_slice %arg7[%scan3A_95, %swap3A_384] : memref<16x1024xf32, #tpu.memory_space<vmem>> -> memref<1x1024xf32, #tpu.memory_space<vmem>>
          %swap3A_386 = tpu.memref_squeeze %swap3A_385 : memref<1x1024xf32, #tpu.memory_space<vmem>> -> memref<1024xf32, #tpu.memory_space<vmem>>
          %swap3A_387 = arith.index_cast %add3A_374 : i32 to index
          %swap3A_388 = tpu.vector_load %swap3A_386[%swap3A_387] {strides = array<i32>} : memref<1024xf32, #tpu.memory_space<vmem>>, vector<16xf32>,
          %swap3A_389 = vector.shape_cast %swap3A_388 : vector<16xf32> to vector<16xf32>
          %swap3A_390 = vector.shape_cast %mul3A_383 : vector<16xf32> to vector<16xf32>
          tpu.vector_store %swap3A_386[%swap3A_387], %swap3A_390 {strides = array<i32>} : memref<1024xf32, #tpu.memory_space<vmem>>, vector<16xf32>,
        }
        %scan3A_101 = arith.constant 4 : i32
      }
      %scan3A_82 = arith.constant 16 : i32
      %mul3A_83 = arith.constant 16 : i32
      %mul3A_84 = arith.muli %add3A_64, %mul3A_83 : i32
      %add3A_85 = arith.addi %mul3A_2, %mul3A_84 : i32
      %dma_start3A_86 = arith.constant 0 : i32
      %dma_start3A_87 = tpu.memref_slice %arg3[%add3A_85, %dma_start3A_86] : memref<4096x1024xf32, #tpu.memory_space<hbm>> -> memref<16x1024xf32, #tpu.memory_space<hbm>>
      %dma_start3A_88 = arith.constant 0 : i32
      %dma_start3A_89 = tpu.memref_slice %arg3[%add3A_85, %dma_start3A_88] : memref<4096x1024xf32, #tpu.memory_space<hbm>> -> memref<16x1024xf32, #tpu.memory_space<hbm>>
      tpu.enqueue_dma source(%arg7 : memref<16x1024xf32, #tpu.memory_space<vmem>>) target(%dma_start3A_89 : memref<16x1024xf32, #tpu.memory_space<hbm>>) target_semaphore(%arg11 : memref<!tpu.dma_semaphore, #tpu.memory_space<semaphore_mem>>)
      %lt3A_90 = arith.constant 3 : i32
      %lt3A_91 = arith.cmpi slt, %scan3A_30, %lt3A_90 : i32
      %convert_element_type3A_92 = arith.extui %lt3A_91 : i1 to i32
      %cond3A_93 = arith.constant 0 : i32
      %cond3A_94 = arith.cmpi ne, %convert_element_type3A_92, %cond3A_93 : i32
      scf.if %cond3A_94 {
        %add3A_95 = arith.constant 2 : i32
        %add3A_96 = arith.addi %add3A_64, %add3A_95 : i32
        %mul3A_97 = arith.constant 16 : i32
        %mul3A_98 = arith.muli %add3A_96, %mul3A_97 : i32
        %add3A_99 = arith.addi %mul3A_2, %mul3A_98 : i32
        %dma_start3A_100 = arith.constant 0 : i32
        %dma_start3A_101 = tpu.memref_slice %arg2[%add3A_99, %dma_start3A_100] : memref<8192x1024xf32, #tpu.memory_space<hbm>> -> memref<16x1024xf32, #tpu.memory_space<hbm>>
        %dma_start3A_102 = arith.constant 0 : i32
        %dma_start3A_103 = tpu.memref_slice %arg2[%add3A_99, %dma_start3A_102] : memref<8192x1024xf32, #tpu.memory_space<hbm>> -> memref<16x1024xf32, #tpu.memory_space<hbm>>
        tpu.enqueue_dma source(%dma_start3A_103 : memref<16x1024xf32, #tpu.memory_space<hbm>>) target(%arg5 : memref<16x1024xf32, #tpu.memory_space<vmem>>) target_semaphore(%arg9 : memref<!tpu.dma_semaphore, #tpu.memory_space<semaphore_mem>>)
      } else {
      }
    }
    %scan3A_18 = arith.constant 4 : i32
    %add3A_19 = arith.constant 96 : i32
    %add3A_20 = arith.addi %mul3A_2, %add3A_19 : i32
    %dma_wait3A = arith.constant 0 : i32
    %dma_wait3A_21 = tpu.memref_slice %arg3[%add3A_20, %dma_wait3A] : memref<4096x1024xf32, #tpu.memory_space<hbm>> -> memref<16x1024xf32, #tpu.memory_space<hbm>>
    %dma_wait3A_22 = arith.constant 0 : i32
    %dma_wait3A_23 = tpu.memref_slice %arg3[%add3A_20, %dma_wait3A_22] : memref<4096x1024xf32, #tpu.memory_space<hbm>> -> memref<16x1024xf32, #tpu.memory_space<hbm>>
    tpu.wait_dma2 semaphore(%arg10 : memref<!tpu.dma_semaphore, #tpu.memory_space<semaphore_mem>>) src(%arg6 : memref<16x1024xf32, #tpu.memory_space<vmem>>) dst(%dma_wait3A_23 : memref<16x1024xf32, #tpu.memory_space<hbm>>)
    %add3A_24 = arith.constant 112 : i32
    %add3A_25 = arith.addi %mul3A_2, %add3A_24 : i32
    %dma_wait3A_26 = arith.constant 0 : i32
    %dma_wait3A_27 = tpu.memref_slice %arg3[%add3A_25, %dma_wait3A_26] : memref<4096x1024xf32, #tpu.memory_space<hbm>> -> memref<16x1024xf32, #tpu.memory_space<hbm>>
    %dma_wait3A_28 = arith.constant 0 : i32
    %dma_wait3A_29 = tpu.memref_slice %arg3[%add3A_25, %dma_wait3A_28] : memref<4096x1024xf32, #tpu.memory_space<hbm>> -> memref<16x1024xf32, #tpu.memory_space<hbm>>
    tpu.wait_dma2 semaphore(%arg11 : memref<!tpu.dma_semaphore, #tpu.memory_space<semaphore_mem>>) src(%arg7 : memref<16x1024xf32, #tpu.memory_space<vmem>>) dst(%dma_wait3A_29 : memref<16x1024xf32, #tpu.memory_space<hbm>>)
    return
  }
}

</mosaic_0001>

<sc_bundles>
// kernel: kernel.3.cloned.1.call-start
scs
__scs_entry_jumppad:
0x0: {  	(pc) =	sbr.rel $0x88, $3  }
0x1: {  	(tag) =	ssettag $0x0;
	lr =	simm.s32 $0x1  }
0x2: {  	[smem:$0x3FA0] =	sst lr;
	_ =	strace $0xD0000000  }
0x3: {  	_ = 	snop  }
0x4: {  	_ = 	snop  }
0x5: {  	_ = 	snop  }
0x6: {  	_ = 	snop  }
0x7: {  	_ = 	snop  }
__scs_overlays_trampoline_lowered:
0x8: {  	[smem:$0x3FAF] =	sst s0  }
0x9: {  	[smem:$0x3FB0] =	sst s1  }
0xa: {  	[smem:$0x3FB1] =	sst s2  }
0xb: {  	[smem:$0x3FB2] =	sst s3  }
0xc: {  	[smem:$0x3FB3] =	sst s4  }
0xd: {  	[smem:$0x3FB4] =	sst s5  }
0xe: {  	[smem:$0x3FB5] =	sst s6  }
0xf: {  	[smem:$0x3FB6] =	sst s7  }
0x10: {  	[smem:$0x3FB7] =	sst s8  }
0x11: {  	[smem:$0x3FB8] =	sst s9;
	s0 =	simm.s32 @!p0 $0x0  }
0x12: {  	s1 =	sld [smem:$0x3F9E];
	s0 =	simm.s32 @p0 $0x1  }
0x13: {  	[smem:$0x3FB9] =	sst s0;
	s0 =	simm.s32 @!p1 $0x0  }
0x14: {  	s2 =	sld [smem:$0x3F9D];
	s0 =	simm.s32 @p1 $0x1  }
0x15: {  	[smem:$0x3FBA] =	sst s0;
	s0 =	simm.s32 @!p2 $0x0  }
0x16: {  	s3 =	sld [smem:$0x3FDB];
	s0 =	simm.s32 @p2 $0x1  }
0x17: {  	s4 =	simm.s32 $0x1BF5;
	[smem:$0x3FBC] =	sst s0  }
0x18: {  	s0 =	sld [smem:$0x3F9F];
	_ =	swait.ge [sflag:s4], $0x0  }
0x19: {  	s7 =	sld [smem:$0x3FA0]  }
0x1a: {  	s8 =	sadd.s32 $0xFFFFE003, lr  }
0x1b: {  	s9 =	sadd.s32 $0xFFFFFEF7, lr;
	s5 =	simm.s32 $0xFFFFFFFF;
	p2 =	slt.u32 s8, $0xFFFFF086  }
0x1c: {  	p1 =	slt.u32 s9, $0xF7A;
	s5 =	simm.s32 @!p2 $0x0  }
0x1d: {  	s5 =	simm.s32 @p1 $0x1;
	p0 =	seq.s32 s7, s2  }
0x1e: {  	s7 =	smul.u32 @!p0 $0xF7A, s2;
	p2 =	seq.s32 @!p0 s5, $0x0  }
0x1f: {  	s9 =	smul.u32 $0xF7A, s1;
	s8 =	simm.s32 @!p0 $0x1BF5;
	p2 =	por !p2, p0  }
0x20: {  	[sflag:s8] =	ssyncset.s32 @!p0 $0xFFFFF086;
	s6 =	sadd.s32 @!p0 s3, s7;
	s7 =	simm.s32 @!p0 $0x108  }
0x21: {  	s3 =	sadd.s32 s3, s9;
	s6 =	sadd.s32 @!p0 $0x88, s6;
	s7 =	simm.s32 @p2 $0x1082  }
0x22: {  	[simem:s7], [sflag:s8] =	dma.local @!p0 [hbm:s6], $0xF7A  }
0x23: {  	s9 =	sor.u32 $0xD0000000, s2;
	s6 =	simm.s32 $0x108;
	_ =	swait.ge @!p0 [sflag:s8], $0x0  }
0x24: {  	s3 =	sadd.s32 $0x88, s3;
	s6 =	simm.s32 @!p1 $0x1082;
	[sflag:s4] =	ssyncset.s32 $0xFFFFF086  }
0x25: {  	[simem:s6], [sflag:s4] =	dma.local [hbm:s3], $0xF7A  }
0x26: {  	[smem:$0x3FA0] =	sst s1;
	(tag) =	ssettag s2;
	_ =	strace s9  }
0x27: {  	s1 =	sld [smem:$0x3FB0]  }
0x28: {  	s2 =	sld [smem:$0x3FB1]  }
0x29: {  	s4 =	sld [smem:$0x3FB3]  }
0x2a: {  	p0 =	seq.s32 s5, $0x0;
	s5 =	sld [smem:$0x3FB4]  }
0x2b: {  	s6 =	sld [smem:$0x3FB5]  }
0x2c: {  	s7 =	sld [smem:$0x3FB6]  }
0x2d: {  	s3 =	simm.s32 $0x108;
	s8 =	sld [smem:$0x3FB7]  }
0x2e: {  	s3 =	simm.s32 @!p0 $0x1082;
	s9 =	sld [smem:$0x3FB8]  }
0x2f: {  	lr =	sadd.s32 s0, s3;
	s0 =	sld [smem:$0x3FAF]  }
0x30: {  	s3 =	sld [smem:$0x3FB2]  }
0x31: {  	[smem:$0x3FBB] =	sst s10  }
0x32: {  	s10 =	sld [smem:$0x3FB9];
	_ =	sdelay $0x3  }
0x33: {  	p0 =	seq.s32 s10, $0x1;
	s10 =	sld [smem:$0x3FBB];
	_ =	sdelay $0x3  }
0x34: {  	[smem:$0x3FBB] =	sst s10  }
0x35: {  	s10 =	sld [smem:$0x3FBA];
	_ =	sdelay $0x3  }
0x36: {  	p1 =	seq.s32 s10, $0x1;
	s10 =	sld [smem:$0x3FBB];
	_ =	sdelay $0x3  }
0x37: {  	[smem:$0x3FBB] =	sst s10  }
0x38: {  	s10 =	sld [smem:$0x3FBC]  }
0x39: {  	_ = 	snop;
	(pc) =	sbr.ind lr, $3  }
0x3a: {  	_ = 	snop  }
0x3b: {  	_ = 	snop  }
0x3c: {  	p2 =	seq.s32 s10, $0x1;
	s10 =	sld [smem:$0x3FBB]  }
0x3d: {  	_ =	shalt  }
0x3e: {  	_ =	shalt  }
0x3f: {  	_ =	shalt  }
0x40: {  	_ =	shalt  }
0x41: {  	_ =	shalt  }
0x42: {  	_ =	shalt  }
0x43: {  	_ =	shalt  }
0x44: {  	_ =	shalt  }
0x45: {  	_ =	shalt  }
0x46: {  	_ =	shalt  }
0x47: {  	_ =	shalt  }
0x48: {  	_ =	shalt  }
0x49: {  	_ =	shalt  }
0x4a: {  	_ =	shalt  }
0x4b: {  	_ =	shalt  }
0x4c: {  	_ =	shalt  }
0x4d: {  	_ =	shalt  }
0x4e: {  	_ =	shalt  }
0x4f: {  	_ =	shalt  }
0x50: {  	_ =	shalt  }
0x51: {  	_ =	shalt  }
0x52: {  	_ =	shalt  }
0x53: {  	_ =	shalt  }
0x54: {  	_ =	shalt  }
0x55: {  	_ =	shalt  }
0x56: {  	_ =	shalt  }
0x57: {  	_ =	shalt  }
0x58: {  	_ =	shalt  }
0x59: {  	_ =	shalt  }
0x5a: {  	_ =	shalt  }
0x5b: {  	_ =	shalt  }
0x5c: {  	_ =	shalt  }
0x5d: {  	_ =	shalt  }
0x5e: {  	_ =	shalt  }
0x5f: {  	_ =	shalt  }
0x60: {  	_ =	shalt  }
0x61: {  	_ =	shalt  }
0x62: {  	_ =	shalt  }
0x63: {  	_ =	shalt  }
0x64: {  	_ =	shalt  }
0x65: {  	_ =	shalt  }
0x66: {  	_ =	shalt  }
0x67: {  	_ =	shalt  }
0x68: {  	_ =	shalt  }
0x69: {  	_ =	shalt  }
0x6a: {  	_ =	shalt  }
0x6b: {  	_ =	shalt  }
0x6c: {  	_ =	shalt  }
0x6d: {  	_ =	shalt  }
0x6e: {  	_ =	shalt  }
0x6f: {  	_ =	shalt  }
0x70: {  	_ =	shalt  }
0x71: {  	_ =	shalt  }
0x72: {  	_ =	shalt  }
0x73: {  	_ =	shalt  }
0x74: {  	_ =	shalt  }
0x75: {  	_ =	shalt  }
0x76: {  	_ =	shalt  }
0x77: {  	_ =	shalt  }
0x78: {  	_ =	shalt  }
0x79: {  	_ =	shalt  }
0x7a: {  	_ =	shalt  }
0x7b: {  	_ =	shalt  }
0x7c: {  	_ =	shalt  }
0x7d: {  	_ =	shalt  }
0x7e: {  	_ =	shalt  }
0x7f: {  	_ =	shalt  }
0x80: {  	_ =	shalt  }
0x81: {  	_ =	shalt  }
0x82: {  	_ =	shalt  }
0x83: {  	_ =	shalt  }
0x84: {  	_ =	shalt  }
0x85: {  	_ =	shalt  }
0x86: {  	_ =	shalt  }
0x87: {  	_ =	shalt  }
.Lfunc_end0:
.L_simem_size_0:
called_computation_lowered:
.L_overlay_start_0:
0x88: {  	s2 =	sld [smem:$0x3FD9]  }
0x89: {  	s3 =	sld [smem:$0x3FFE];
	_ =	sdelay $0x1  }
0x8a: {  	s1 =	srdreg.scid  }
0x8b: {  	s0 =	sand.u32 $0x1, s1  }
0x8c: {  	s18 =	sshll.u32 s0, $0xA;
	s2 =	sadd.s32 s3, s2  }
0x8d: {  	s2 =	sadd.s32 s2, s18  }
0x8e: {  	[smem:$0x3FC7] =	sst s2  }
0x8f: {  	_ = 	snop  }
0x90: {  	s2 =	sld [smem:$0x3FC9]  }
0x91: {  	s19 =	sld [smem:$0x3FD0];
	(tm) =	ssettm $0x1  }
0x92: {  	s4 =	sld [smem:$0x3FFB];
	_ =	sdelay $0x3  }
0x93: {  	_ =	strace s4  }
0x94: {  	s4 =	sld [smem:$0x3FFC];
	_ =	sdelay $0x3  }
0x95: {  	_ =	strace s4  }
0x96: {  	s4 =	sld [smem:$0x3FFD];
	_ =	sdelay $0x3  }
0x97: {  	_ =	strace s4  }
0x98: {  	_ =	strace $0x8FFFFFFF  }
0x99: {  	s20 =	sld [smem:$0x3FDB];
	_ =	sdelay $0x1  }
0x9a: {  	s5 =	simm.s32 $_scs_section_size  }
0x9b: {  	s6 =	simm.s32 $_size__tile_overlayer_lowered;
	s7 =	simm.s32 $_tile_overlayer_lowered  }
0x9c: {  	s23 =	simm.s32 $0x1BFF;
	s22 =	sshll.u32 s7, $0x1;
	s4 =	sadd.s32 s5, s20  }
0x9d: {  	s8 =	simm.s32 $0x0;
	s21 =	sshll.u32 s6, $0x1;
	s6 =	sadd.s32 s22, s4  }
0x9e: {  	[timem:s8], [sflag:s23] =	dma.local [hbm:s6], s21  }
0x9f: {  	_ =	swait.ge [sflag:s23], s21  }
0xa0: {  	s5 =	ssub.s32 $0x0, s21;
	[sflag:s23] =	ssyncset.done $0x0  }
0xa1: {  	[sflag:s23] =	ssyncadd.s32 s5;
	_ =	sdelay $0x1  }
0xa2: {  	s24 =	simm.s32 $0x1B8B  }
0xa3: {  	_ =	swait.ge [sflag:s24], $0x1  }
0xa4: {  	[sflag:s24] =	ssyncset.done $0x0  }
0xa5: {  	s25 =	simm.s32 $0x1B8E;
	[sflag:s24] =	ssyncadd.s32 $0xFFFFFFFF  }
0xa6: {  	s26 =	simm.s32 $execute0_lowered;
	[smem:$0x3FD2] =	sst s25  }
0xa7: {  	s5 =	sshll.u32 s26, $0x1;
	_ =	strace $0x80000046;
	[dreg:$0x1] =	wrdreg $0xFFFFFFFF  }
0xa8: {  	s28 =	simm.s32 $_size_execute0_lowered;
	s4 =	sadd.s32 s4, s5;
	[dreg:$0x0] =	wrdreg $0x0  }
0xa9: {  	s5 =	sshll.u32 s28, $0x1;
	[dreg:$0x2] =	wrdreg s4  }
0xaa: {  	[dreg:$0x3] =	wrdreg s5  }
0xab: {  	[dreg:$0x4] =	wrdreg $0xC0  }
0xac: {  	_ =	task [dreg:s8], $0x5FFFF  }
0xad: {  	[dreg:$0x1] =	wrdreg $0xFFFFFFFF  }
0xae: {  	[dreg:$0x0] =	wrdreg $0x60  }
0xaf: {  	[dreg:$0x2] =	wrdreg s2  }
0xb0: {  	[dreg:$0x3] =	wrdreg s19  }
0xb1: {  	[dreg:$0x4] =	wrdreg $0x9  }
0xb2: {  	_ =	task.clear_ibuf [dreg:s8], $0x5FFFF;
	_ =	strace $0x90000046  }
0xb3: {  	s29 =	simm.s32 $0x9;
	_ =	strace $0x80000048  }
0xb4: {  	_ =	swait.ge [sflag:s29], $0x1  }
0xb5: {  	[sflag:s29] =	ssyncadd.s32 $0xFFFFFFFF  }
0xb6: {  	_ =	strace $0x90000048  }
0xb7: {  	_ =	sfence  }
0xb8: {  	s30 =	sld [smem:$0x0];
	_ =	sdelay $0x2  }
0xb9: {  	s31 =	sshll.u32 s1, $0xD;
	s1 =	sshrl.u32 s1, $0x2  }
0xba: {  	s3 =	sand.u32 $0x4000, s31;
	s1 =	sadd.s32 s1, s30  }
0xbb: {  	s0 =	sor.u32 s3, s0;
	s1 =	sshll.u32 s1, $0x11  }
0xbc: {  	s0 =	sor.u32 s1, s0  }
0xbd: {  	s0 =	sadd.s32 $0x8F2B, s0  }
0xbe: {  	[sflag:s0] =	ssyncadd.remote.s32 $0x1  }
0xbf: {  	_ =	sfence.sel $0xFFFF  }
0xc0: {  	[dreg:$0x0] =	wrdreg $0xFFFFFFFF;
	(pc) =	sbr.abs _section_cstart, $3  }
0xc1: {  	[dreg:$0x1] =	wrdreg $0xFFFFFFFF  }
0xc2: {  	_ =	task.clear_ibuf [dreg:s8], $0x2FFFF;
	_ =	strace $0x9FFFFFFF  }
0xc3: {  	(tm) =	ssettm $0x7FFFFFFF  }
tec
execute0_lowered:
.L_overlay_start_1:
0x0: {  	(tag) =	ssettag $0x1  }
0x1: {  	s1 =	srdreg.scid;
	s2 =	rddreg [dreg:$0x0]  }
0x2: {  	s0 =	stileid.u32;
	s3 =	rddreg [dreg:$0x1]  }
0x3: {  	s12 =	simm.s32 $0x4000;
	s13 =	simm.s32 $0x1;
	s14 =	simm.s32 $0x8000  }
0x4: {  	s15 =	simm.s32 $0x2;
	s16 =	simm.s32 $0xC000;
	s17 =	simm.s32 $0x3  }
0x5: {  	s18 =	simm.s32 $0x4;
	s19 =	simm.s32 $0x0;
	s6 =	sand.u32 $0x1, s1  }
0x6: {  	s4 =	sshll.u32 s0, $0x8;
	s1 =	rddreg [dreg:$0x2];
	s5 =	sshll.u32 s6, $0x7  }
.Ltmp0:
0x7: {  	s7 =	ssub.s32 $0x2, s6;
	s4 =	sor.u32 s5, s4;
	(pc) =	sbr.rel .LBB2_1-.Ltmp0, $4  }
0x8: {  	s5 =	simm.s32 $0x0;
	s9 =	sshrl.u32 s7, $0x1;
	s8 =	sshll.u32 s4, $0x7  }
0x9: {  	[smem:$0x7FF] =	sst s5;
	s11 =	ssub.s32 s7, s9;
	s9 =	sor.u32 $0x20, s4  }
0xa: {  	s10 =	sor.u32 $0x30, s4;
	s6 =	sadd.s32 s2, s8;
	_ =	strace $0x80000047  }
0xb: {  	s8 =	sadd.s32 s3, s8;
	s11 =	smax.u32 s11, $0x1;
	s7 =	sadd.s32 $0x800, s6  }
.LBB2_8:
0xc: {  	s19 =	sadd.s32 $0x1, s19  }
0xd: {  	_ =	swait.ge [sflag:s17], $0x4000;
	p0 =	sne.s32 s19, s11  }
.Ltmp1:
0xe: {  	[sflag:s17] =	ssyncset.done $0x0;
	(pc) =	sbr.rel @!p0 .LBB2_9-.Ltmp1, $4  }
0xf: {  	[sflag:s17] =	ssyncadd.s32 $0xFFFFC000  }
0x10: {  	_ =	swait.ge [sflag:s18], $0x4000  }
0x11: {  	[sflag:s18] =	ssyncset.done $0x0  }
0x12: {  	[sflag:s18] =	ssyncadd.s32 $0xFFFFC000  }
.LBB2_1:
0x13: {  	[tilespmem:s5], [sflag:$0x1] =	stream.linear.gather [hbm4b:s6+s5], $0x4000, $0x38;
	[tilespmem:$0x10000] =	vst v63  }
0x14: {  	s20 =	simm.s32 $0x0  }
0x15: {  	[tilespmem:s12], [sflag:$0x2] =	stream.linear.gather [hbm4b:s7+s5], $0x4000, $0x38;
	[tilespmem:$0x10000] =	vst v63  }
.LBB2_2:
0x16: {  	p0 =	seq.s32 s20, $0x0  }
0x17: {  	s21 =	simm.s32 @!p0 $0x3  }
0x18: {  	_ =	swait.ge @!p0 [sflag:s21], $0x4000  }
0x19: {  	[sflag:s21] =	ssyncset.done @!p0 $0x0  }
0x1a: {  	[sflag:s21] =	ssyncadd.s32 @!p0 $0xFFFFC000  }
0x1b: {  	s31 =	simm.s32 $0x0;
	_ =	swait.ge [sflag:s13], $0x4000  }
0x1c: {  	s22 =	sand.u32 $0x2000, s31;
	s21 =	sand.u32 $0x380, s31;
	[sflag:s13] =	ssyncset.done $0x0  }
0x1d: {  	s22 =	sor.u32 s21, s22;
	[sflag:s13] =	ssyncadd.s32 $0xFFFFC000  }
0x1e: {  	v0 =	vld [tilespmem:s22+$0x1C70]  }
0x1f: {  	v1 =	vld [tilespmem:s22+$0x0]  }
0x20: {  	v2 =	vld [tilespmem:s22+$0x10]  }
0x21: {  	v3 =	vld [tilespmem:s22+$0x20]  }
0x22: {  	v4 =	vld [tilespmem:s22+$0x30]  }
0x23: {  	v5 =	vld [tilespmem:s22+$0x40];
	v0 =	vmul.f32 $3.125000000e-02, v0  }
0x24: {  	v6 =	vld [tilespmem:s22+$0x50];
	v1 =	vmul.f32 $3.125000000e-02, v1  }
0x25: {  	v7 =	vld [tilespmem:s22+$0x60];
	[tilespmem:s22+$0x9C70] =	vst v0;
	v0 =	vmul.f32 $3.125000000e-02, v2  }
0x26: {  	[tilespmem:s22+$0x8000] =	vst v1;
	v1 =	vld [tilespmem:s22+$0x70];
	v2 =	vmul.f32 $3.125000000e-02, v3  }
0x27: {  	v3 =	vmul.f32 $3.125000000e-02, v4;
	[tilespmem:s22+$0x8010] =	vst v0;
	v0 =	vld [tilespmem:s22+$0x400]  }
0x28: {  	v4 =	vmul.f32 $3.125000000e-02, v5;
	[tilespmem:s22+$0x8020] =	vst v2;
	v2 =	vld [tilespmem:s22+$0x410]  }
0x29: {  	v5 =	vmul.f32 $3.125000000e-02, v6;
	[tilespmem:s22+$0x8030] =	vst v3;
	v3 =	vld [tilespmem:s22+$0x420]  }
0x2a: {  	v6 =	vmul.f32 $3.125000000e-02, v7;
	[tilespmem:s22+$0x8040] =	vst v4;
	v4 =	vld [tilespmem:s22+$0x430]  }
0x2b: {  	[tilespmem:s22+$0x8050] =	vst v5;
	v5 =	vld [tilespmem:s22+$0x440];
	v1 =	vmul.f32 $3.125000000e-02, v1  }
0x2c: {  	[tilespmem:s22+$0x8060] =	vst v6;
	v6 =	vld [tilespmem:s22+$0x450];
	v0 =	vmul.f32 $3.125000000e-02, v0  }
0x2d: {  	[tilespmem:s22+$0x8070] =	vst v1;
	v1 =	vld [tilespmem:s22+$0x460];
	v2 =	vmul.f32 $3.125000000e-02, v2  }
0x2e: {  	v3 =	vmul.f32 $3.125000000e-02, v3;
	[tilespmem:s22+$0x8400] =	vst v0;
	v0 =	vld [tilespmem:s22+$0x470]  }
0x2f: {  	v4 =	vmul.f32 $3.125000000e-02, v4;
	[tilespmem:s22+$0x8410] =	vst v2;
	v2 =	vld [tilespmem:s22+$0x800]  }
0x30: {  	v5 =	vmul.f32 $3.125000000e-02, v5;
	[tilespmem:s22+$0x8420] =	vst v3;
	v3 =	vld [tilespmem:s22+$0x810]  }
0x31: {  	v6 =	vmul.f32 $3.125000000e-02, v6;
	[tilespmem:s22+$0x8430] =	vst v4;
	v4 =	vld [tilespmem:s22+$0x820]  }
0x32: {  	[tilespmem:s22+$0x8440] =	vst v5;
	v5 =	vld [tilespmem:s22+$0x830];
	v1 =	vmul.f32 $3.125000000e-02, v1  }
0x33: {  	[tilespmem:s22+$0x8450] =	vst v6;
	v6 =	vld [tilespmem:s22+$0x840];
	v0 =	vmul.f32 $3.125000000e-02, v0  }
0x34: {  	[tilespmem:s22+$0x8460] =	vst v1;
	v1 =	vld [tilespmem:s22+$0x850];
	v2 =	vmul.f32 $3.125000000e-02, v2  }
0x35: {  	v3 =	vmul.f32 $3.125000000e-02, v3;
	[tilespmem:s22+$0x8470] =	vst v0;
	v0 =	vld [tilespmem:s22+$0x860]  }
0x36: {  	v4 =	vmul.f32 $3.125000000e-02, v4;
	[tilespmem:s22+$0x8800] =	vst v2;
	v2 =	vld [tilespmem:s22+$0x870]  }
0x37: {  	v5 =	vmul.f32 $3.125000000e-02, v5;
	[tilespmem:s22+$0x8810] =	vst v3;
	v3 =	vld [tilespmem:s22+$0xC00]  }
0x38: {  	v6 =	vmul.f32 $3.125000000e-02, v6;
	[tilespmem:s22+$0x8820] =	vst v4;
	v4 =	vld [tilespmem:s22+$0xC10]  }
0x39: {  	[tilespmem:s22+$0x8830] =	vst v5;
	v5 =	vld [tilespmem:s22+$0xC20];
	v1 =	vmul.f32 $3.125000000e-02, v1  }
0x3a: {  	[tilespmem:s22+$0x8840] =	vst v6;
	v6 =	vld [tilespmem:s22+$0xC30];
	v0 =	vmul.f32 $3.125000000e-02, v0  }
0x3b: {  	[tilespmem:s22+$0x8850] =	vst v1;
	v1 =	vld [tilespmem:s22+$0xC40];
	v2 =	vmul.f32 $3.125000000e-02, v2  }
0x3c: {  	v3 =	vmul.f32 $3.125000000e-02, v3;
	[tilespmem:s22+$0x8860] =	vst v0;
	v0 =	vld [tilespmem:s22+$0xC50]  }
0x3d: {  	v4 =	vmul.f32 $3.125000000e-02, v4;
	[tilespmem:s22+$0x8870] =	vst v2;
	v2 =	vld [tilespmem:s22+$0xC60]  }
0x3e: {  	v5 =	vmul.f32 $3.125000000e-02, v5;
	[tilespmem:s22+$0x8C00] =	vst v3;
	v3 =	vld [tilespmem:s22+$0xC70]  }
0x3f: {  	v6 =	vmul.f32 $3.125000000e-02, v6;
	[tilespmem:s22+$0x8C10] =	vst v4;
	v4 =	vld [tilespmem:s22+$0x1000]  }
0x40: {  	[tilespmem:s22+$0x8C20] =	vst v5;
	v5 =	vld [tilespmem:s22+$0x1010];
	v1 =	vmul.f32 $3.125000000e-02, v1  }
0x41: {  	[tilespmem:s22+$0x8C30] =	vst v6;
	v6 =	vld [tilespmem:s22+$0x1020];
	v0 =	vmul.f32 $3.125000000e-02, v0  }
0x42: {  	[tilespmem:s22+$0x8C40] =	vst v1;
	v1 =	vld [tilespmem:s22+$0x1030];
	v2 =	vmul.f32 $3.125000000e-02, v2  }
0x43: {  	v3 =	vmul.f32 $3.125000000e-02, v3;
	[tilespmem:s22+$0x8C50] =	vst v0;
	v0 =	vld [tilespmem:s22+$0x1040]  }
0x44: {  	v4 =	vmul.f32 $3.125000000e-02, v4;
	[tilespmem:s22+$0x8C60] =	vst v2;
	v2 =	vld [tilespmem:s22+$0x1050]  }
0x45: {  	v5 =	vmul.f32 $3.125000000e-02, v5;
	[tilespmem:s22+$0x8C70] =	vst v3;
	v3 =	vld [tilespmem:s22+$0x1060]  }
0x46: {  	v6 =	vmul.f32 $3.125000000e-02, v6;
	[tilespmem:s22+$0x9000] =	vst v4;
	v4 =	vld [tilespmem:s22+$0x1070]  }
0x47: {  	[tilespmem:s22+$0x9010] =	vst v5;
	v5 =	vld [tilespmem:s22+$0x1400];
	v1 =	vmul.f32 $3.125000000e-02, v1  }
0x48: {  	[tilespmem:s22+$0x9020] =	vst v6;
	v6 =	vld [tilespmem:s22+$0x1410];
	v0 =	vmul.f32 $3.125000000e-02, v0  }
0x49: {  	[tilespmem:s22+$0x9030] =	vst v1;
	v1 =	vld [tilespmem:s22+$0x1420];
	v2 =	vmul.f32 $3.125000000e-02, v2  }
0x4a: {  	v3 =	vmul.f32 $3.125000000e-02, v3;
	[tilespmem:s22+$0x9040] =	vst v0;
	v0 =	vld [tilespmem:s22+$0x1430]  }
0x4b: {  	v4 =	vmul.f32 $3.125000000e-02, v4;
	[tilespmem:s22+$0x9050] =	vst v2;
	v2 =	vld [tilespmem:s22+$0x1440]  }
0x4c: {  	v5 =	vmul.f32 $3.125000000e-02, v5;
	[tilespmem:s22+$0x9060] =	vst v3;
	v3 =	vld [tilespmem:s22+$0x1450]  }
0x4d: {  	v6 =	vmul.f32 $3.125000000e-02, v6;
	[tilespmem:s22+$0x9070] =	vst v4;
	v4 =	vld [tilespmem:s22+$0x1460]  }
0x4e: {  	[tilespmem:s22+$0x9400] =	vst v5;
	v5 =	vld [tilespmem:s22+$0x1470];
	v1 =	vmul.f32 $3.125000000e-02, v1  }
0x4f: {  	[tilespmem:s22+$0x9410] =	vst v6;
	v6 =	vld [tilespmem:s22+$0x1800];
	v0 =	vmul.f32 $3.125000000e-02, v0  }
0x50: {  	[tilespmem:s22+$0x9420] =	vst v1;
	v1 =	vld [tilespmem:s22+$0x1810];
	v2 =	vmul.f32 $3.125000000e-02, v2  }
0x51: {  	v3 =	vmul.f32 $3.125000000e-02, v3;
	[tilespmem:s22+$0x9430] =	vst v0;
	v0 =	vld [tilespmem:s22+$0x1820]  }
0x52: {  	v4 =	vmul.f32 $3.125000000e-02, v4;
	[tilespmem:s22+$0x9440] =	vst v2;
	v2 =	vld [tilespmem:s22+$0x1830]  }
0x53: {  	v7 =	vld [tilespmem:s22+$0x1840];
	[tilespmem:s22+$0x9450] =	vst v3;
	v3 =	vmul.f32 $3.125000000e-02, v5  }
0x54: {  	[tilespmem:s22+$0x9460] =	vst v4;
	v4 =	vld [tilespmem:s22+$0x1850];
	v5 =	vmul.f32 $3.125000000e-02, v6  }
0x55: {  	v6 =	vld [tilespmem:s22+$0x1860];
	[tilespmem:s22+$0x9470] =	vst v3;
	v1 =	vmul.f32 $3.125000000e-02, v1  }
0x56: {  	[tilespmem:s22+$0x9800] =	vst v5;
	v5 =	vld [tilespmem:s22+$0x1870];
	v0 =	vmul.f32 $3.125000000e-02, v0  }
0x57: {  	v8 =	vld [tilespmem:s22+$0x1C00];
	[tilespmem:s22+$0x9810] =	vst v1;
	v1 =	vmul.f32 $3.125000000e-02, v2  }
0x58: {  	v3 =	vld [tilespmem:s22+$0x1C10];
	v2 =	vmul.f32 $3.125000000e-02, v7;
	[tilespmem:s22+$0x9820] =	vst v0  }
0x59: {  	v4 =	vmul.f32 $3.125000000e-02, v4;
	[tilespmem:s22+$0x9830] =	vst v1;
	v0 =	vld [tilespmem:s22+$0x1C20]  }
0x5a: {  	s24 =	simm.s32 $0x400;
	v6 =	vmul.f32 $3.125000000e-02, v6;
	[tilespmem:s22+$0x9840] =	vst v2;
	v1 =	vld [tilespmem:s22+$0x1C30]  }
0x5b: {  	s23 =	simm.s32 $0x80;
	s25 =	sand.u32 $0x2000, s24;
	[tilespmem:s22+$0x9850] =	vst v4;
	v2 =	vld [tilespmem:s22+$0x1C40];
	v5 =	vmul.f32 $3.125000000e-02, v5  }
0x5c: {  	s26 =	sand.u32 $0x380, s23;
	s24 =	simm.s32 $0x800;
	s21 =	sshll.u32 s20, $0x5;
	[tilespmem:s22+$0x9860] =	vst v6;
	v6 =	vmul.f32 $3.125000000e-02, v8;
	v4 =	vld [tilespmem:s22+$0x1C50]  }
.LBB2_3:
0x5d: {  	p0 =	sne.s32 s24, $0x3C00;
	s25 =	sor.u32 s26, s25;
	[tilespmem:s22+$0x9870] =	vst v5;
	v3 =	vmul.f32 $3.125000000e-02, v3;
	v5 =	vld [tilespmem:s22+$0x1C60]  }
0x5e: {  	v7 =	vld [tilespmem:s25+$0x1C70];
	[tilespmem:s22+$0x9C00] =	vst v6;
	v0 =	vmul.f32 $3.125000000e-02, v0  }
0x5f: {  	v6 =	vld [tilespmem:s25+$0x0];
	[tilespmem:s22+$0x9C10] =	vst v3;
	v1 =	vmul.f32 $3.125000000e-02, v1  }
0x60: {  	v3 =	vld [tilespmem:s25+$0x10];
	[tilespmem:s22+$0x9C20] =	vst v0;
	v0 =	vmul.f32 $3.125000000e-02, v2  }
0x61: {  	v2 =	vld [tilespmem:s25+$0x20];
	[tilespmem:s22+$0x9C30] =	vst v1;
	v1 =	vmul.f32 $3.125000000e-02, v4  }
0x62: {  	v4 =	vld [tilespmem:s25+$0x30];
	[tilespmem:s22+$0x9C40] =	vst v0;
	v0 =	vmul.f32 $3.125000000e-02, v5  }
0x63: {  	v5 =	vld [tilespmem:s25+$0x40];
	v7 =	vmul.f32 $3.125000000e-02, v7;
	[tilespmem:s22+$0x9C50] =	vst v1  }
0x64: {  	v1 =	vmul.f32 $3.125000000e-02, v6;
	v6 =	vld [tilespmem:s25+$0x50];
	[tilespmem:s22+$0x9C60] =	vst v0;
	s22 =	smov.u32 s25  }
0x65: {  	v0 =	vmul.f32 $3.125000000e-02, v3;
	v3 =	vld [tilespmem:s22+$0x60];
	[tilespmem:s22+$0x9C70] =	vst v7  }
0x66: {  	[tilespmem:s22+$0x8000] =	vst v1;
	v1 =	vmul.f32 $3.125000000e-02, v2;
	v2 =	vld [tilespmem:s22+$0x70]  }
0x67: {  	[tilespmem:s22+$0x8010] =	vst v0;
	v0 =	vmul.f32 $3.125000000e-02, v4;
	v4 =	vld [tilespmem:s22+$0x400]  }
0x68: {  	[tilespmem:s22+$0x8020] =	vst v1;
	v1 =	vmul.f32 $3.125000000e-02, v5;
	v5 =	vld [tilespmem:s22+$0x410]  }
0x69: {  	[tilespmem:s22+$0x8030] =	vst v0;
	v0 =	vmul.f32 $3.125000000e-02, v6;
	v6 =	vld [tilespmem:s22+$0x420]  }
0x6a: {  	[tilespmem:s22+$0x8040] =	vst v1;
	v1 =	vmul.f32 $3.125000000e-02, v3;
	v3 =	vld [tilespmem:s22+$0x430]  }
0x6b: {  	[tilespmem:s22+$0x8050] =	vst v0;
	v0 =	vmul.f32 $3.125000000e-02, v2;
	v2 =	vld [tilespmem:s22+$0x440]  }
0x6c: {  	[tilespmem:s22+$0x8060] =	vst v1;
	v1 =	vmul.f32 $3.125000000e-02, v4;
	v4 =	vld [tilespmem:s22+$0x450]  }
0x6d: {  	[tilespmem:s22+$0x8070] =	vst v0;
	v0 =	vmul.f32 $3.125000000e-02, v5;
	v5 =	vld [tilespmem:s22+$0x460]  }
0x6e: {  	[tilespmem:s22+$0x8400] =	vst v1;
	v1 =	vmul.f32 $3.125000000e-02, v6;
	v6 =	vld [tilespmem:s22+$0x470]  }
0x6f: {  	[tilespmem:s22+$0x8410] =	vst v0;
	v0 =	vmul.f32 $3.125000000e-02, v3;
	v3 =	vld [tilespmem:s22+$0x800]  }
0x70: {  	[tilespmem:s22+$0x8420] =	vst v1;
	v1 =	vmul.f32 $3.125000000e-02, v2;
	v2 =	vld [tilespmem:s22+$0x810]  }
0x71: {  	[tilespmem:s22+$0x8430] =	vst v0;
	v0 =	vmul.f32 $3.125000000e-02, v4;
	v4 =	vld [tilespmem:s22+$0x820]  }
0x72: {  	[tilespmem:s22+$0x8440] =	vst v1;
	v1 =	vmul.f32 $3.125000000e-02, v5;
	v5 =	vld [tilespmem:s22+$0x830]  }
0x73: {  	[tilespmem:s22+$0x8450] =	vst v0;
	v0 =	vmul.f32 $3.125000000e-02, v6;
	v6 =	vld [tilespmem:s22+$0x840]  }
0x74: {  	[tilespmem:s22+$0x8460] =	vst v1;
	v1 =	vmul.f32 $3.125000000e-02, v3;
	v3 =	vld [tilespmem:s22+$0x850]  }
0x75: {  	[tilespmem:s22+$0x8470] =	vst v0;
	v0 =	vmul.f32 $3.125000000e-02, v2;
	v2 =	vld [tilespmem:s22+$0x860]  }
0x76: {  	[tilespmem:s22+$0x8800] =	vst v1;
	v1 =	vmul.f32 $3.125000000e-02, v4;
	v4 =	vld [tilespmem:s22+$0x870]  }
0x77: {  	[tilespmem:s22+$0x8810] =	vst v0;
	v0 =	vmul.f32 $3.125000000e-02, v5;
	v5 =	vld [tilespmem:s22+$0xC00]  }
0x78: {  	[tilespmem:s22+$0x8820] =	vst v1;
	v1 =	vmul.f32 $3.125000000e-02, v6;
	v6 =	vld [tilespmem:s22+$0xC10]  }
0x79: {  	[tilespmem:s22+$0x8830] =	vst v0;
	v0 =	vmul.f32 $3.125000000e-02, v3;
	v3 =	vld [tilespmem:s22+$0xC20]  }
0x7a: {  	[tilespmem:s22+$0x8840] =	vst v1;
	v1 =	vmul.f32 $3.125000000e-02, v2;
	v2 =	vld [tilespmem:s22+$0xC30]  }
0x7b: {  	[tilespmem:s22+$0x8850] =	vst v0;
	v0 =	vmul.f32 $3.125000000e-02, v4;
	v4 =	vld [tilespmem:s22+$0xC40]  }
0x7c: {  	[tilespmem:s22+$0x8860] =	vst v1;
	v1 =	vmul.f32 $3.125000000e-02, v5;
	v5 =	vld [tilespmem:s22+$0xC50]  }
0x7d: {  	[tilespmem:s22+$0x8870] =	vst v0;
	v0 =	vmul.f32 $3.125000000e-02, v6;
	v6 =	vld [tilespmem:s22+$0xC60]  }
0x7e: {  	[tilespmem:s22+$0x8C00] =	vst v1;
	v1 =	vmul.f32 $3.125000000e-02, v3;
	v3 =	vld [tilespmem:s22+$0xC70]  }
0x7f: {  	[tilespmem:s22+$0x8C10] =	vst v0;
	v0 =	vmul.f32 $3.125000000e-02, v2;
	v2 =	vld [tilespmem:s22+$0x1000]  }
0x80: {  	[tilespmem:s22+$0x8C20] =	vst v1;
	v1 =	vmul.f32 $3.125000000e-02, v4;
	v4 =	vld [tilespmem:s22+$0x1010]  }
0x81: {  	[tilespmem:s22+$0x8C30] =	vst v0;
	v0 =	vmul.f32 $3.125000000e-02, v5;
	v5 =	vld [tilespmem:s22+$0x1020]  }
0x82: {  	[tilespmem:s22+$0x8C40] =	vst v1;
	v1 =	vmul.f32 $3.125000000e-02, v6;
	v6 =	vld [tilespmem:s22+$0x1030]  }
0x83: {  	[tilespmem:s22+$0x8C50] =	vst v0;
	v0 =	vmul.f32 $3.125000000e-02, v3;
	v3 =	vld [tilespmem:s22+$0x1040]  }
0x84: {  	[tilespmem:s22+$0x8C60] =	vst v1;
	v1 =	vmul.f32 $3.125000000e-02, v2;
	v2 =	vld [tilespmem:s22+$0x1050]  }
0x85: {  	[tilespmem:s22+$0x8C70] =	vst v0;
	v0 =	vmul.f32 $3.125000000e-02, v4;
	v4 =	vld [tilespmem:s22+$0x1060]  }
0x86: {  	[tilespmem:s22+$0x9000] =	vst v1;
	v1 =	vmul.f32 $3.125000000e-02, v5;
	v5 =	vld [tilespmem:s22+$0x1070]  }
0x87: {  	[tilespmem:s22+$0x9010] =	vst v0;
	v0 =	vmul.f32 $3.125000000e-02, v6;
	v6 =	vld [tilespmem:s22+$0x1400]  }
0x88: {  	[tilespmem:s22+$0x9020] =	vst v1;
	v1 =	vmul.f32 $3.125000000e-02, v3;
	v3 =	vld [tilespmem:s22+$0x1410]  }
0x89: {  	[tilespmem:s22+$0x9030] =	vst v0;
	v0 =	vmul.f32 $3.125000000e-02, v2;
	v2 =	vld [tilespmem:s22+$0x1420]  }
0x8a: {  	[tilespmem:s22+$0x9040] =	vst v1;
	v1 =	vmul.f32 $3.125000000e-02, v4;
	v4 =	vld [tilespmem:s22+$0x1430]  }
0x8b: {  	[tilespmem:s22+$0x9050] =	vst v0;
	v0 =	vmul.f32 $3.125000000e-02, v5;
	v5 =	vld [tilespmem:s22+$0x1440]  }
0x8c: {  	[tilespmem:s22+$0x9060] =	vst v1;
	v1 =	vmul.f32 $3.125000000e-02, v6;
	v6 =	vld [tilespmem:s22+$0x1450]  }
0x8d: {  	[tilespmem:s22+$0x9070] =	vst v0;
	v0 =	vmul.f32 $3.125000000e-02, v3;
	v3 =	vld [tilespmem:s22+$0x1460]  }
0x8e: {  	[tilespmem:s22+$0x9400] =	vst v1;
	v1 =	vmul.f32 $3.125000000e-02, v2;
	v2 =	vld [tilespmem:s22+$0x1470]  }
0x8f: {  	[tilespmem:s22+$0x9410] =	vst v0;
	v0 =	vmul.f32 $3.125000000e-02, v4;
	v4 =	vld [tilespmem:s22+$0x1800]  }
0x90: {  	[tilespmem:s22+$0x9420] =	vst v1;
	v1 =	vmul.f32 $3.125000000e-02, v5;
	v5 =	vld [tilespmem:s22+$0x1810]  }
0x91: {  	[tilespmem:s22+$0x9430] =	vst v0;
	v0 =	vmul.f32 $3.125000000e-02, v6;
	v6 =	vld [tilespmem:s22+$0x1820]  }
0x92: {  	[tilespmem:s22+$0x9440] =	vst v1;
	v1 =	vmul.f32 $3.125000000e-02, v3;
	v3 =	vld [tilespmem:s22+$0x1830]  }
0x93: {  	[tilespmem:s22+$0x9450] =	vst v0;
	v0 =	vmul.f32 $3.125000000e-02, v2;
	v2 =	vld [tilespmem:s22+$0x1840]  }
0x94: {  	[tilespmem:s22+$0x9460] =	vst v1;
	v1 =	vmul.f32 $3.125000000e-02, v4;
	v4 =	vld [tilespmem:s22+$0x1850]  }
0x95: {  	[tilespmem:s22+$0x9470] =	vst v0;
	v0 =	vmul.f32 $3.125000000e-02, v5;
	v5 =	vld [tilespmem:s22+$0x1860]  }
0x96: {  	[tilespmem:s22+$0x9800] =	vst v1;
	v1 =	vmul.f32 $3.125000000e-02, v6;
	v6 =	vld [tilespmem:s22+$0x1870]  }
0x97: {  	[tilespmem:s22+$0x9810] =	vst v0;
	v0 =	vmul.f32 $3.125000000e-02, v3;
	v7 =	vld [tilespmem:s22+$0x1C00]  }
.Ltmp2:
0x98: {  	[tilespmem:s22+$0x9820] =	vst v1;
	v1 =	vmul.f32 $3.125000000e-02, v2;
	v3 =	vld [tilespmem:s22+$0x1C10];
	(pc) =	sbr.rel @p0 .LBB2_3-.Ltmp2, $4  }
0x99: {  	[tilespmem:s22+$0x9830] =	vst v0;
	v2 =	vmul.f32 $3.125000000e-02, v4;
	v0 =	vld [tilespmem:s22+$0x1C20]  }
0x9a: {  	[tilespmem:s22+$0x9840] =	vst v1;
	v4 =	vmul.f32 $3.125000000e-02, v5;
	v1 =	vld [tilespmem:s22+$0x1C30]  }
0x9b: {  	s23 =	sadd.s32 $0x80, s23;
	[tilespmem:s22+$0x9850] =	vst v2;
	v5 =	vmul.f32 $3.125000000e-02, v6;
	v2 =	vld [tilespmem:s22+$0x1C40]  }
0x9c: {  	s26 =	sand.u32 $0x380, s23;
	s25 =	sand.u32 $0x2000, s24;
	s24 =	sadd.s32 $0x400, s24;
	[tilespmem:s22+$0x9860] =	vst v4;
	v6 =	vmul.f32 $3.125000000e-02, v7;
	v4 =	vld [tilespmem:s22+$0x1C50]  }
0x9d: {  	[tilespmem:s22+$0x9870] =	vst v5;
	s23 =	sor.u32 s26, s25;
	v5 =	vld [tilespmem:s22+$0x1C60];
	v3 =	vmul.f32 $3.125000000e-02, v3  }
0x9e: {  	v7 =	vld [tilespmem:s23+$0x1C70];
	[tilespmem:s22+$0x9C00] =	vst v6;
	v0 =	vmul.f32 $3.125000000e-02, v0  }
0x9f: {  	v6 =	vld [tilespmem:s23+$0x0];
	[tilespmem:s22+$0x9C10] =	vst v3;
	v1 =	vmul.f32 $3.125000000e-02, v1  }
0xa0: {  	v3 =	vld [tilespmem:s23+$0x10];
	[tilespmem:s22+$0x9C20] =	vst v0;
	v2 =	vmul.f32 $3.125000000e-02, v2  }
0xa1: {  	v0 =	vld [tilespmem:s23+$0x20];
	[tilespmem:s22+$0x9C30] =	vst v1;
	v4 =	vmul.f32 $3.125000000e-02, v4  }
0xa2: {  	v1 =	vld [tilespmem:s23+$0x30];
	[tilespmem:s22+$0x9C40] =	vst v2;
	v5 =	vmul.f32 $3.125000000e-02, v5  }
0xa3: {  	v2 =	vld [tilespmem:s23+$0x40];
	[tilespmem:s22+$0x9C50] =	vst v4;
	v4 =	vmul.f32 $3.125000000e-02, v7  }
0xa4: {  	v7 =	vld [tilespmem:s23+$0x50];
	v6 =	vmul.f32 $3.125000000e-02, v6;
	[tilespmem:s22+$0x9C60] =	vst v5  }
0xa5: {  	v3 =	vmul.f32 $3.125000000e-02, v3;
	v5 =	vld [tilespmem:s23+$0x60];
	[tilespmem:s23+$0x9C70] =	vst v4  }
0xa6: {  	v4 =	vld [tilespmem:s23+$0x70];
	[tilespmem:s23+$0x8000] =	vst v6;
	v0 =	vmul.f32 $3.125000000e-02, v0  }
0xa7: {  	[tilespmem:s23+$0x8010] =	vst v3;
	v1 =	vmul.f32 $3.125000000e-02, v1;
	v3 =	vld [tilespmem:s23+$0x400]  }
0xa8: {  	[tilespmem:s23+$0x8020] =	vst v0;
	v0 =	vmul.f32 $3.125000000e-02, v2;
	v2 =	vld [tilespmem:s23+$0x410]  }
0xa9: {  	v6 =	vld [tilespmem:s23+$0x420];
	[tilespmem:s23+$0x8030] =	vst v1;
	v1 =	vmul.f32 $3.125000000e-02, v7  }
0xaa: {  	[tilespmem:s23+$0x8040] =	vst v0;
	v0 =	vmul.f32 $3.125000000e-02, v5;
	v5 =	vld [tilespmem:s23+$0x430]  }
0xab: {  	[tilespmem:s23+$0x8050] =	vst v1;
	v1 =	vmul.f32 $3.125000000e-02, v4;
	v4 =	vld [tilespmem:s23+$0x440]  }
0xac: {  	[tilespmem:s23+$0x8060] =	vst v0;
	v0 =	vmul.f32 $3.125000000e-02, v3;
	v3 =	vld [tilespmem:s23+$0x450]  }
0xad: {  	[tilespmem:s23+$0x8070] =	vst v1;
	v1 =	vmul.f32 $3.125000000e-02, v2;
	v2 =	vld [tilespmem:s23+$0x460]  }
0xae: {  	[tilespmem:s23+$0x8400] =	vst v0;
	v0 =	vmul.f32 $3.125000000e-02, v6;
	v6 =	vld [tilespmem:s23+$0x470]  }
0xaf: {  	[tilespmem:s23+$0x8410] =	vst v1;
	v1 =	vmul.f32 $3.125000000e-02, v5;
	v5 =	vld [tilespmem:s23+$0x800]  }
0xb0: {  	[tilespmem:s23+$0x8420] =	vst v0;
	v0 =	vmul.f32 $3.125000000e-02, v4;
	v4 =	vld [tilespmem:s23+$0x810]  }
0xb1: {  	[tilespmem:s23+$0x8430] =	vst v1;
	v1 =	vmul.f32 $3.125000000e-02, v3;
	v3 =	vld [tilespmem:s23+$0x820]  }
0xb2: {  	[tilespmem:s23+$0x8440] =	vst v0;
	v0 =	vmul.f32 $3.125000000e-02, v2;
	v2 =	vld [tilespmem:s23+$0x830]  }
0xb3: {  	[tilespmem:s23+$0x8450] =	vst v1;
	v1 =	vmul.f32 $3.125000000e-02, v6;
	v6 =	vld [tilespmem:s23+$0x840]  }
0xb4: {  	[tilespmem:s23+$0x8460] =	vst v0;
	v0 =	vmul.f32 $3.125000000e-02, v5;
	v5 =	vld [tilespmem:s23+$0x850]  }
0xb5: {  	[tilespmem:s23+$0x8470] =	vst v1;
	v1 =	vmul.f32 $3.125000000e-02, v4;
	v4 =	vld [tilespmem:s23+$0x860]  }
0xb6: {  	[tilespmem:s23+$0x8800] =	vst v0;
	v0 =	vmul.f32 $3.125000000e-02, v3;
	v3 =	vld [tilespmem:s23+$0x870]  }
0xb7: {  	[tilespmem:s23+$0x8810] =	vst v1;
	v1 =	vmul.f32 $3.125000000e-02, v2;
	v2 =	vld [tilespmem:s23+$0xC00]  }
0xb8: {  	[tilespmem:s23+$0x8820] =	vst v0;
	v0 =	vmul.f32 $3.125000000e-02, v6;
	v6 =	vld [tilespmem:s23+$0xC10]  }
0xb9: {  	[tilespmem:s23+$0x8830] =	vst v1;
	v1 =	vmul.f32 $3.125000000e-02, v5;
	v5 =	vld [tilespmem:s23+$0xC20]  }
0xba: {  	[tilespmem:s23+$0x8840] =	vst v0;
	v0 =	vmul.f32 $3.125000000e-02, v4;
	v4 =	vld [tilespmem:s23+$0xC30]  }
0xbb: {  	[tilespmem:s23+$0x8850] =	vst v1;
	v1 =	vmul.f32 $3.125000000e-02, v3;
	v3 =	vld [tilespmem:s23+$0xC40]  }
0xbc: {  	[tilespmem:s23+$0x8860] =	vst v0;
	v0 =	vmul.f32 $3.125000000e-02, v2;
	v2 =	vld [tilespmem:s23+$0xC50]  }
0xbd: {  	[tilespmem:s23+$0x8870] =	vst v1;
	v1 =	vmul.f32 $3.125000000e-02, v6;
	v6 =	vld [tilespmem:s23+$0xC60]  }
0xbe: {  	[tilespmem:s23+$0x8C00] =	vst v0;
	v0 =	vmul.f32 $3.125000000e-02, v5;
	v5 =	vld [tilespmem:s23+$0xC70]  }
0xbf: {  	[tilespmem:s23+$0x8C10] =	vst v1;
	v1 =	vmul.f32 $3.125000000e-02, v4;
	v4 =	vld [tilespmem:s23+$0x1000]  }
0xc0: {  	[tilespmem:s23+$0x8C20] =	vst v0;
	v0 =	vmul.f32 $3.125000000e-02, v3;
	v3 =	vld [tilespmem:s23+$0x1010]  }
0xc1: {  	[tilespmem:s23+$0x8C30] =	vst v1;
	v1 =	vmul.f32 $3.125000000e-02, v2;
	v2 =	vld [tilespmem:s23+$0x1020]  }
0xc2: {  	[tilespmem:s23+$0x8C40] =	vst v0;
	v0 =	vmul.f32 $3.125000000e-02, v6;
	v6 =	vld [tilespmem:s23+$0x1030]  }
0xc3: {  	[tilespmem:s23+$0x8C50] =	vst v1;
	v1 =	vmul.f32 $3.125000000e-02, v5;
	v5 =	vld [tilespmem:s23+$0x1040]  }
0xc4: {  	[tilespmem:s23+$0x8C60] =	vst v0;
	v0 =	vmul.f32 $3.125000000e-02, v4;
	v4 =	vld [tilespmem:s23+$0x1050]  }
0xc5: {  	[tilespmem:s23+$0x8C70] =	vst v1;
	v1 =	vmul.f32 $3.125000000e-02, v3;
	v3 =	vld [tilespmem:s23+$0x1060]  }
0xc6: {  	[tilespmem:s23+$0x9000] =	vst v0;
	v0 =	vmul.f32 $3.125000000e-02, v2;
	v2 =	vld [tilespmem:s23+$0x1070]  }
0xc7: {  	[tilespmem:s23+$0x9010] =	vst v1;
	v1 =	vmul.f32 $3.125000000e-02, v6;
	v6 =	vld [tilespmem:s23+$0x1400]  }
0xc8: {  	[tilespmem:s23+$0x9020] =	vst v0;
	v0 =	vmul.f32 $3.125000000e-02, v5;
	v5 =	vld [tilespmem:s23+$0x1410]  }
0xc9: {  	[tilespmem:s23+$0x9030] =	vst v1;
	v1 =	vmul.f32 $3.125000000e-02, v4;
	v4 =	vld [tilespmem:s23+$0x1420]  }
0xca: {  	[tilespmem:s23+$0x9040] =	vst v0;
	v0 =	vmul.f32 $3.125000000e-02, v3;
	v3 =	vld [tilespmem:s23+$0x1430]  }
0xcb: {  	[tilespmem:s23+$0x9050] =	vst v1;
	v1 =	vmul.f32 $3.125000000e-02, v2;
	v2 =	vld [tilespmem:s23+$0x1440]  }
0xcc: {  	[tilespmem:s23+$0x9060] =	vst v0;
	v0 =	vmul.f32 $3.125000000e-02, v6;
	v6 =	vld [tilespmem:s23+$0x1450]  }
0xcd: {  	[tilespmem:s23+$0x9070] =	vst v1;
	v1 =	vmul.f32 $3.125000000e-02, v5;
	v5 =	vld [tilespmem:s23+$0x1460]  }
0xce: {  	[tilespmem:s23+$0x9400] =	vst v0;
	v0 =	vmul.f32 $3.125000000e-02, v4;
	v4 =	vld [tilespmem:s23+$0x1470]  }
0xcf: {  	[tilespmem:s23+$0x9410] =	vst v1;
	v1 =	vmul.f32 $3.125000000e-02, v3;
	v3 =	vld [tilespmem:s23+$0x1800]  }
0xd0: {  	[tilespmem:s23+$0x9420] =	vst v0;
	v0 =	vmul.f32 $3.125000000e-02, v2;
	v2 =	vld [tilespmem:s23+$0x1810]  }
0xd1: {  	[tilespmem:s23+$0x9430] =	vst v1;
	v1 =	vmul.f32 $3.125000000e-02, v6;
	v6 =	vld [tilespmem:s23+$0x1820]  }
0xd2: {  	[tilespmem:s23+$0x9440] =	vst v0;
	v0 =	vmul.f32 $3.125000000e-02, v5;
	v5 =	vld [tilespmem:s23+$0x1830]  }
0xd3: {  	[tilespmem:s23+$0x9450] =	vst v1;
	v1 =	vmul.f32 $3.125000000e-02, v4;
	v4 =	vld [tilespmem:s23+$0x1840]  }
0xd4: {  	[tilespmem:s23+$0x9460] =	vst v0;
	v0 =	vmul.f32 $3.125000000e-02, v3;
	v3 =	vld [tilespmem:s23+$0x1850]  }
0xd5: {  	[tilespmem:s23+$0x9470] =	vst v1;
	v1 =	vmul.f32 $3.125000000e-02, v2;
	v2 =	vld [tilespmem:s23+$0x1860]  }
0xd6: {  	[tilespmem:s23+$0x9800] =	vst v0;
	v0 =	vmul.f32 $3.125000000e-02, v6;
	v6 =	vld [tilespmem:s23+$0x1870]  }
0xd7: {  	[tilespmem:s23+$0x9810] =	vst v1;
	v1 =	vmul.f32 $3.125000000e-02, v5;
	v5 =	vld [tilespmem:s23+$0x1C00]  }
0xd8: {  	[tilespmem:s23+$0x9820] =	vst v0;
	v0 =	vmul.f32 $3.125000000e-02, v4;
	v4 =	vld [tilespmem:s23+$0x1C10]  }
0xd9: {  	[tilespmem:s23+$0x9830] =	vst v1;
	v1 =	vmul.f32 $3.125000000e-02, v3;
	v3 =	vld [tilespmem:s23+$0x1C20]  }
0xda: {  	[tilespmem:s23+$0x9840] =	vst v0;
	v0 =	vmul.f32 $3.125000000e-02, v2;
	v2 =	vld [tilespmem:s23+$0x1C30]  }
0xdb: {  	[tilespmem:s23+$0x9850] =	vst v1;
	v1 =	vmul.f32 $3.125000000e-02, v6;
	v6 =	vld [tilespmem:s23+$0x1C40]  }
0xdc: {  	[tilespmem:s23+$0x9860] =	vst v0;
	v0 =	vmul.f32 $3.125000000e-02, v5;
	v5 =	vld [tilespmem:s23+$0x1C50]  }
0xdd: {  	[tilespmem:s23+$0x9870] =	vst v1;
	v1 =	vmul.f32 $3.125000000e-02, v4;
	v4 =	vld [tilespmem:s23+$0x1C60]  }
0xde: {  	[tilespmem:s23+$0x9C00] =	vst v0;
	v0 =	vmul.f32 $3.125000000e-02, v3  }
0xdf: {  	[tilespmem:s23+$0x9C10] =	vst v1;
	v1 =	vmul.f32 $3.125000000e-02, v2  }
0xe0: {  	[tilespmem:s23+$0x9C20] =	vst v0;
	v0 =	vmul.f32 $3.125000000e-02, v6  }
0xe1: {  	[tilespmem:s23+$0x9C30] =	vst v1;
	v1 =	vmul.f32 $3.125000000e-02, v5  }
0xe2: {  	[tilespmem:s23+$0x9C40] =	vst v0;
	v0 =	vmul.f32 $3.125000000e-02, v4  }
0xe3: {  	s29 =	sshll.u32 s20, $0xC;
	[tilespmem:s23+$0x9C50] =	vst v1  }
0xe4: {  	p0 =	seq.s32 s20, $0x3;
	s22 =	sadd.s32 s29, s8;
	[tilespmem:s23+$0x9C60] =	vst v0  }
0xe5: {  	[hbm4b:s22+s5] =	stream.linear.scatter [tilespmem:s14], [sflag:$0x3], $0x4000, $0x38;
	[tilespmem:$0x10000] =	vst v63  }
0xe6: {  	s22 =	sadd.s32 @!p0 s21, s9  }
0xe7: {  	p1 =	seq.s32 @!p0 s20, $0x0;
	s22 =	sshll.u32 @!p0 s22, $0x7  }
0xe8: {  	p1 =	por p0, !p1;
	s23 =	simm.s32 @!p0 $0x0;
	s22 =	sadd.s32 @!p0 s2, s22  }
0xe9: {  	[tilespmem:s23], [sflag:$0x1] =	stream.linear.gather @!p0 [hbm4b:s22+s23], $0x4000, $0x38;
	[tilespmem:$0x10000] =	vst v63  }
0xea: {  	_ =	swait.ge @p1 [sflag:s18], $0x4000  }
0xeb: {  	[sflag:s18] =	ssyncset.done @p1 $0x0  }
0xec: {  	[sflag:s18] =	ssyncadd.s32 @p1 $0xFFFFC000  }
0xed: {  	s30 =	simm.s32 $0x0;
	_ =	swait.ge [sflag:s15], $0x4000  }
0xee: {  	s31 =	sand.u32 $0x2000, s30;
	s22 =	sand.u32 $0x380, s30;
	[sflag:s15] =	ssyncset.done $0x0  }
0xef: {  	s22 =	sor.u32 s22, s31;
	[sflag:s15] =	ssyncadd.s32 $0xFFFFC000  }
0xf0: {  	v0 =	vld [tilespmem:s22+$0x5C70]  }
0xf1: {  	v1 =	vld [tilespmem:s22+$0x4000]  }
0xf2: {  	v2 =	vld [tilespmem:s22+$0x4010]  }
0xf3: {  	v3 =	vld [tilespmem:s22+$0x4020]  }
0xf4: {  	v4 =	vld [tilespmem:s22+$0x4030]  }
0xf5: {  	v5 =	vld [tilespmem:s22+$0x4040];
	v0 =	vmul.f32 $3.125000000e-02, v0  }
0xf6: {  	v6 =	vld [tilespmem:s22+$0x4050];
	v1 =	vmul.f32 $3.125000000e-02, v1  }
0xf7: {  	v7 =	vld [tilespmem:s22+$0x4060];
	[tilespmem:s22+$0xDC70] =	vst v0;
	v0 =	vmul.f32 $3.125000000e-02, v2  }
0xf8: {  	[tilespmem:s22+$0xC000] =	vst v1;
	v1 =	vld [tilespmem:s22+$0x4070];
	v2 =	vmul.f32 $3.125000000e-02, v3  }
0xf9: {  	v3 =	vmul.f32 $3.125000000e-02, v4;
	[tilespmem:s22+$0xC010] =	vst v0;
	v0 =	vld [tilespmem:s22+$0x4400]  }
0xfa: {  	v4 =	vmul.f32 $3.125000000e-02, v5;
	[tilespmem:s22+$0xC020] =	vst v2;
	v2 =	vld [tilespmem:s22+$0x4410]  }
0xfb: {  	v5 =	vmul.f32 $3.125000000e-02, v6;
	[tilespmem:s22+$0xC030] =	vst v3;
	v3 =	vld [tilespmem:s22+$0x4420]  }
0xfc: {  	v6 =	vmul.f32 $3.125000000e-02, v7;
	[tilespmem:s22+$0xC040] =	vst v4;
	v4 =	vld [tilespmem:s22+$0x4430]  }
0xfd: {  	[tilespmem:s22+$0xC050] =	vst v5;
	v5 =	vld [tilespmem:s22+$0x4440];
	v1 =	vmul.f32 $3.125000000e-02, v1  }
0xfe: {  	[tilespmem:s22+$0xC060] =	vst v6;
	v6 =	vld [tilespmem:s22+$0x4450];
	v0 =	vmul.f32 $3.125000000e-02, v0  }
0xff: {  	[tilespmem:s22+$0xC070] =	vst v1;
	v1 =	vld [tilespmem:s22+$0x4460];
	v2 =	vmul.f32 $3.125000000e-02, v2  }
0x100: {  	v3 =	vmul.f32 $3.125000000e-02, v3;
	[tilespmem:s22+$0xC400] =	vst v0;
	v0 =	vld [tilespmem:s22+$0x4470]  }
0x101: {  	v4 =	vmul.f32 $3.125000000e-02, v4;
	[tilespmem:s22+$0xC410] =	vst v2;
	v2 =	vld [tilespmem:s22+$0x4800]  }
0x102: {  	v5 =	vmul.f32 $3.125000000e-02, v5;
	[tilespmem:s22+$0xC420] =	vst v3;
	v3 =	vld [tilespmem:s22+$0x4810]  }
0x103: {  	v6 =	vmul.f32 $3.125000000e-02, v6;
	[tilespmem:s22+$0xC430] =	vst v4;
	v4 =	vld [tilespmem:s22+$0x4820]  }
0x104: {  	[tilespmem:s22+$0xC440] =	vst v5;
	v5 =	vld [tilespmem:s22+$0x4830];
	v1 =	vmul.f32 $3.125000000e-02, v1  }
0x105: {  	[tilespmem:s22+$0xC450] =	vst v6;
	v6 =	vld [tilespmem:s22+$0x4840];
	v0 =	vmul.f32 $3.125000000e-02, v0  }
0x106: {  	[tilespmem:s22+$0xC460] =	vst v1;
	v1 =	vld [tilespmem:s22+$0x4850];
	v2 =	vmul.f32 $3.125000000e-02, v2  }
0x107: {  	v3 =	vmul.f32 $3.125000000e-02, v3;
	[tilespmem:s22+$0xC470] =	vst v0;
	v0 =	vld [tilespmem:s22+$0x4860]  }
0x108: {  	v4 =	vmul.f32 $3.125000000e-02, v4;
	[tilespmem:s22+$0xC800] =	vst v2;
	v2 =	vld [tilespmem:s22+$0x4870]  }
0x109: {  	v5 =	vmul.f32 $3.125000000e-02, v5;
	[tilespmem:s22+$0xC810] =	vst v3;
	v3 =	vld [tilespmem:s22+$0x4C00]  }
0x10a: {  	v6 =	vmul.f32 $3.125000000e-02, v6;
	[tilespmem:s22+$0xC820] =	vst v4;
	v4 =	vld [tilespmem:s22+$0x4C10]  }
0x10b: {  	[tilespmem:s22+$0xC830] =	vst v5;
	v5 =	vld [tilespmem:s22+$0x4C20];
	v1 =	vmul.f32 $3.125000000e-02, v1  }
0x10c: {  	[tilespmem:s22+$0xC840] =	vst v6;
	v6 =	vld [tilespmem:s22+$0x4C30];
	v0 =	vmul.f32 $3.125000000e-02, v0  }
0x10d: {  	[tilespmem:s22+$0xC850] =	vst v1;
	v1 =	vld [tilespmem:s22+$0x4C40];
	v2 =	vmul.f32 $3.125000000e-02, v2  }
0x10e: {  	v3 =	vmul.f32 $3.125000000e-02, v3;
	[tilespmem:s22+$0xC860] =	vst v0;
	v0 =	vld [tilespmem:s22+$0x4C50]  }
0x10f: {  	v4 =	vmul.f32 $3.125000000e-02, v4;
	[tilespmem:s22+$0xC870] =	vst v2;
	v2 =	vld [tilespmem:s22+$0x4C60]  }
0x110: {  	v5 =	vmul.f32 $3.125000000e-02, v5;
	[tilespmem:s22+$0xCC00] =	vst v3;
	v3 =	vld [tilespmem:s22+$0x4C70]  }
0x111: {  	v6 =	vmul.f32 $3.125000000e-02, v6;
	[tilespmem:s22+$0xCC10] =	vst v4;
	v4 =	vld [tilespmem:s22+$0x5000]  }
0x112: {  	[tilespmem:s22+$0xCC20] =	vst v5;
	v5 =	vld [tilespmem:s22+$0x5010];
	v1 =	vmul.f32 $3.125000000e-02, v1  }
0x113: {  	[tilespmem:s22+$0xCC30] =	vst v6;
	v6 =	vld [tilespmem:s22+$0x5020];
	v0 =	vmul.f32 $3.125000000e-02, v0  }
0x114: {  	[tilespmem:s22+$0xCC40] =	vst v1;
	v1 =	vld [tilespmem:s22+$0x5030];
	v2 =	vmul.f32 $3.125000000e-02, v2  }
0x115: {  	v3 =	vmul.f32 $3.125000000e-02, v3;
	[tilespmem:s22+$0xCC50] =	vst v0;
	v0 =	vld [tilespmem:s22+$0x5040]  }
0x116: {  	v4 =	vmul.f32 $3.125000000e-02, v4;
	[tilespmem:s22+$0xCC60] =	vst v2;
	v2 =	vld [tilespmem:s22+$0x5050]  }
0x117: {  	v5 =	vmul.f32 $3.125000000e-02, v5;
	[tilespmem:s22+$0xCC70] =	vst v3;
	v3 =	vld [tilespmem:s22+$0x5060]  }
0x118: {  	v6 =	vmul.f32 $3.125000000e-02, v6;
	[tilespmem:s22+$0xD000] =	vst v4;
	v4 =	vld [tilespmem:s22+$0x5070]  }
0x119: {  	[tilespmem:s22+$0xD010] =	vst v5;
	v5 =	vld [tilespmem:s22+$0x5400];
	v1 =	vmul.f32 $3.125000000e-02, v1  }
0x11a: {  	[tilespmem:s22+$0xD020] =	vst v6;
	v6 =	vld [tilespmem:s22+$0x5410];
	v0 =	vmul.f32 $3.125000000e-02, v0  }
0x11b: {  	[tilespmem:s22+$0xD030] =	vst v1;
	v1 =	vld [tilespmem:s22+$0x5420];
	v2 =	vmul.f32 $3.125000000e-02, v2  }
0x11c: {  	v3 =	vmul.f32 $3.125000000e-02, v3;
	[tilespmem:s22+$0xD040] =	vst v0;
	v0 =	vld [tilespmem:s22+$0x5430]  }
0x11d: {  	v4 =	vmul.f32 $3.125000000e-02, v4;
	[tilespmem:s22+$0xD050] =	vst v2;
	v2 =	vld [tilespmem:s22+$0x5440]  }
0x11e: {  	v5 =	vmul.f32 $3.125000000e-02, v5;
	[tilespmem:s22+$0xD060] =	vst v3;
	v3 =	vld [tilespmem:s22+$0x5450]  }
0x11f: {  	v6 =	vmul.f32 $3.125000000e-02, v6;
	[tilespmem:s22+$0xD070] =	vst v4;
	v4 =	vld [tilespmem:s22+$0x5460]  }
0x120: {  	[tilespmem:s22+$0xD400] =	vst v5;
	v5 =	vld [tilespmem:s22+$0x5470];
	v1 =	vmul.f32 $3.125000000e-02, v1  }
0x121: {  	[tilespmem:s22+$0xD410] =	vst v6;
	v6 =	vld [tilespmem:s22+$0x5800];
	v0 =	vmul.f32 $3.125000000e-02, v0  }
0x122: {  	[tilespmem:s22+$0xD420] =	vst v1;
	v1 =	vld [tilespmem:s22+$0x5810];
	v2 =	vmul.f32 $3.125000000e-02, v2  }
0x123: {  	v3 =	vmul.f32 $3.125000000e-02, v3;
	[tilespmem:s22+$0xD430] =	vst v0;
	v0 =	vld [tilespmem:s22+$0x5820]  }
0x124: {  	v4 =	vmul.f32 $3.125000000e-02, v4;
	[tilespmem:s22+$0xD440] =	vst v2;
	v2 =	vld [tilespmem:s22+$0x5830]  }
0x125: {  	v7 =	vld [tilespmem:s22+$0x5840];
	[tilespmem:s22+$0xD450] =	vst v3;
	v3 =	vmul.f32 $3.125000000e-02, v5  }
0x126: {  	[tilespmem:s22+$0xD460] =	vst v4;
	v4 =	vld [tilespmem:s22+$0x5850];
	v5 =	vmul.f32 $3.125000000e-02, v6  }
0x127: {  	v6 =	vld [tilespmem:s22+$0x5860];
	[tilespmem:s22+$0xD470] =	vst v3;
	v1 =	vmul.f32 $3.125000000e-02, v1  }
0x128: {  	[tilespmem:s22+$0xD800] =	vst v5;
	v5 =	vld [tilespmem:s22+$0x5870];
	v0 =	vmul.f32 $3.125000000e-02, v0  }
0x129: {  	v8 =	vld [tilespmem:s22+$0x5C00];
	[tilespmem:s22+$0xD810] =	vst v1;
	v1 =	vmul.f32 $3.125000000e-02, v2  }
0x12a: {  	v3 =	vld [tilespmem:s22+$0x5C10];
	v2 =	vmul.f32 $3.125000000e-02, v7;
	[tilespmem:s22+$0xD820] =	vst v0  }
0x12b: {  	v4 =	vmul.f32 $3.125000000e-02, v4;
	[tilespmem:s22+$0xD830] =	vst v1;
	v0 =	vld [tilespmem:s22+$0x5C20]  }
0x12c: {  	v6 =	vmul.f32 $3.125000000e-02, v6;
	[tilespmem:s22+$0xD840] =	vst v2;
	v1 =	vld [tilespmem:s22+$0x5C30]  }
0x12d: {  	s24 =	simm.s32 $0x400;
	s23 =	simm.s32 $0x80;
	[tilespmem:s22+$0xD850] =	vst v4;
	v2 =	vld [tilespmem:s22+$0x5C40];
	v5 =	vmul.f32 $3.125000000e-02, v5  }
0x12e: {  	s25 =	sand.u32 $0x2000, s24;
	s24 =	simm.s32 $0x800;
	s26 =	sand.u32 $0x380, s23;
	[tilespmem:s22+$0xD860] =	vst v6;
	v6 =	vmul.f32 $3.125000000e-02, v8;
	v4 =	vld [tilespmem:s22+$0x5C50]  }
.LBB2_5:
0x12f: {  	p1 =	sne.s32 s24, $0x3C00;
	s25 =	sor.u32 s26, s25;
	[tilespmem:s22+$0xD870] =	vst v5;
	v3 =	vmul.f32 $3.125000000e-02, v3;
	v5 =	vld [tilespmem:s22+$0x5C60]  }
0x130: {  	v7 =	vld [tilespmem:s25+$0x5C70];
	[tilespmem:s22+$0xDC00] =	vst v6;
	v0 =	vmul.f32 $3.125000000e-02, v0  }
0x131: {  	v6 =	vld [tilespmem:s25+$0x4000];
	[tilespmem:s22+$0xDC10] =	vst v3;
	v1 =	vmul.f32 $3.125000000e-02, v1  }
0x132: {  	v3 =	vld [tilespmem:s25+$0x4010];
	[tilespmem:s22+$0xDC20] =	vst v0;
	v0 =	vmul.f32 $3.125000000e-02, v2  }
0x133: {  	v2 =	vld [tilespmem:s25+$0x4020];
	[tilespmem:s22+$0xDC30] =	vst v1;
	v1 =	vmul.f32 $3.125000000e-02, v4  }
0x134: {  	v4 =	vld [tilespmem:s25+$0x4030];
	[tilespmem:s22+$0xDC40] =	vst v0;
	v0 =	vmul.f32 $3.125000000e-02, v5  }
0x135: {  	v5 =	vld [tilespmem:s25+$0x4040];
	v7 =	vmul.f32 $3.125000000e-02, v7;
	[tilespmem:s22+$0xDC50] =	vst v1  }
0x136: {  	v1 =	vmul.f32 $3.125000000e-02, v6;
	v6 =	vld [tilespmem:s25+$0x4050];
	[tilespmem:s22+$0xDC60] =	vst v0;
	s22 =	smov.u32 s25  }
0x137: {  	v0 =	vmul.f32 $3.125000000e-02, v3;
	v3 =	vld [tilespmem:s22+$0x4060];
	[tilespmem:s22+$0xDC70] =	vst v7  }
0x138: {  	[tilespmem:s22+$0xC000] =	vst v1;
	v1 =	vmul.f32 $3.125000000e-02, v2;
	v2 =	vld [tilespmem:s22+$0x4070]  }
0x139: {  	[tilespmem:s22+$0xC010] =	vst v0;
	v0 =	vmul.f32 $3.125000000e-02, v4;
	v4 =	vld [tilespmem:s22+$0x4400]  }
0x13a: {  	[tilespmem:s22+$0xC020] =	vst v1;
	v1 =	vmul.f32 $3.125000000e-02, v5;
	v5 =	vld [tilespmem:s22+$0x4410]  }
0x13b: {  	[tilespmem:s22+$0xC030] =	vst v0;
	v0 =	vmul.f32 $3.125000000e-02, v6;
	v6 =	vld [tilespmem:s22+$0x4420]  }
0x13c: {  	[tilespmem:s22+$0xC040] =	vst v1;
	v1 =	vmul.f32 $3.125000000e-02, v3;
	v3 =	vld [tilespmem:s22+$0x4430]  }
0x13d: {  	[tilespmem:s22+$0xC050] =	vst v0;
	v0 =	vmul.f32 $3.125000000e-02, v2;
	v2 =	vld [tilespmem:s22+$0x4440]  }
0x13e: {  	[tilespmem:s22+$0xC060] =	vst v1;
	v1 =	vmul.f32 $3.125000000e-02, v4;
	v4 =	vld [tilespmem:s22+$0x4450]  }
0x13f: {  	[tilespmem:s22+$0xC070] =	vst v0;
	v0 =	vmul.f32 $3.125000000e-02, v5;
	v5 =	vld [tilespmem:s22+$0x4460]  }
0x140: {  	[tilespmem:s22+$0xC400] =	vst v1;
	v1 =	vmul.f32 $3.125000000e-02, v6;
	v6 =	vld [tilespmem:s22+$0x4470]  }
0x141: {  	[tilespmem:s22+$0xC410] =	vst v0;
	v0 =	vmul.f32 $3.125000000e-02, v3;
	v3 =	vld [tilespmem:s22+$0x4800]  }
0x142: {  	[tilespmem:s22+$0xC420] =	vst v1;
	v1 =	vmul.f32 $3.125000000e-02, v2;
	v2 =	vld [tilespmem:s22+$0x4810]  }
0x143: {  	[tilespmem:s22+$0xC430] =	vst v0;
	v0 =	vmul.f32 $3.125000000e-02, v4;
	v4 =	vld [tilespmem:s22+$0x4820]  }
0x144: {  	[tilespmem:s22+$0xC440] =	vst v1;
	v1 =	vmul.f32 $3.125000000e-02, v5;
	v5 =	vld [tilespmem:s22+$0x4830]  }
0x145: {  	[tilespmem:s22+$0xC450] =	vst v0;
	v0 =	vmul.f32 $3.125000000e-02, v6;
	v6 =	vld [tilespmem:s22+$0x4840]  }
0x146: {  	[tilespmem:s22+$0xC460] =	vst v1;
	v1 =	vmul.f32 $3.125000000e-02, v3;
	v3 =	vld [tilespmem:s22+$0x4850]  }
0x147: {  	[tilespmem:s22+$0xC470] =	vst v0;
	v0 =	vmul.f32 $3.125000000e-02, v2;
	v2 =	vld [tilespmem:s22+$0x4860]  }
0x148: {  	[tilespmem:s22+$0xC800] =	vst v1;
	v1 =	vmul.f32 $3.125000000e-02, v4;
	v4 =	vld [tilespmem:s22+$0x4870]  }
0x149: {  	[tilespmem:s22+$0xC810] =	vst v0;
	v0 =	vmul.f32 $3.125000000e-02, v5;
	v5 =	vld [tilespmem:s22+$0x4C00]  }
0x14a: {  	[tilespmem:s22+$0xC820] =	vst v1;
	v1 =	vmul.f32 $3.125000000e-02, v6;
	v6 =	vld [tilespmem:s22+$0x4C10]  }
0x14b: {  	[tilespmem:s22+$0xC830] =	vst v0;
	v0 =	vmul.f32 $3.125000000e-02, v3;
	v3 =	vld [tilespmem:s22+$0x4C20]  }
0x14c: {  	[tilespmem:s22+$0xC840] =	vst v1;
	v1 =	vmul.f32 $3.125000000e-02, v2;
	v2 =	vld [tilespmem:s22+$0x4C30]  }
0x14d: {  	[tilespmem:s22+$0xC850] =	vst v0;
	v0 =	vmul.f32 $3.125000000e-02, v4;
	v4 =	vld [tilespmem:s22+$0x4C40]  }
0x14e: {  	[tilespmem:s22+$0xC860] =	vst v1;
	v1 =	vmul.f32 $3.125000000e-02, v5;
	v5 =	vld [tilespmem:s22+$0x4C50]  }
0x14f: {  	[tilespmem:s22+$0xC870] =	vst v0;
	v0 =	vmul.f32 $3.125000000e-02, v6;
	v6 =	vld [tilespmem:s22+$0x4C60]  }
0x150: {  	[tilespmem:s22+$0xCC00] =	vst v1;
	v1 =	vmul.f32 $3.125000000e-02, v3;
	v3 =	vld [tilespmem:s22+$0x4C70]  }
0x151: {  	[tilespmem:s22+$0xCC10] =	vst v0;
	v0 =	vmul.f32 $3.125000000e-02, v2;
	v2 =	vld [tilespmem:s22+$0x5000]  }
0x152: {  	[tilespmem:s22+$0xCC20] =	vst v1;
	v1 =	vmul.f32 $3.125000000e-02, v4;
	v4 =	vld [tilespmem:s22+$0x5010]  }
0x153: {  	[tilespmem:s22+$0xCC30] =	vst v0;
	v0 =	vmul.f32 $3.125000000e-02, v5;
	v5 =	vld [tilespmem:s22+$0x5020]  }
0x154: {  	[tilespmem:s22+$0xCC40] =	vst v1;
	v1 =	vmul.f32 $3.125000000e-02, v6;
	v6 =	vld [tilespmem:s22+$0x5030]  }
0x155: {  	[tilespmem:s22+$0xCC50] =	vst v0;
	v0 =	vmul.f32 $3.125000000e-02, v3;
	v3 =	vld [tilespmem:s22+$0x5040]  }
0x156: {  	[tilespmem:s22+$0xCC60] =	vst v1;
	v1 =	vmul.f32 $3.125000000e-02, v2;
	v2 =	vld [tilespmem:s22+$0x5050]  }
0x157: {  	[tilespmem:s22+$0xCC70] =	vst v0;
	v0 =	vmul.f32 $3.125000000e-02, v4;
	v4 =	vld [tilespmem:s22+$0x5060]  }
0x158: {  	[tilespmem:s22+$0xD000] =	vst v1;
	v1 =	vmul.f32 $3.125000000e-02, v5;
	v5 =	vld [tilespmem:s22+$0x5070]  }
0x159: {  	[tilespmem:s22+$0xD010] =	vst v0;
	v0 =	vmul.f32 $3.125000000e-02, v6;
	v6 =	vld [tilespmem:s22+$0x5400]  }
0x15a: {  	[tilespmem:s22+$0xD020] =	vst v1;
	v1 =	vmul.f32 $3.125000000e-02, v3;
	v3 =	vld [tilespmem:s22+$0x5410]  }
0x15b: {  	[tilespmem:s22+$0xD030] =	vst v0;
	v0 =	vmul.f32 $3.125000000e-02, v2;
	v2 =	vld [tilespmem:s22+$0x5420]  }
0x15c: {  	[tilespmem:s22+$0xD040] =	vst v1;
	v1 =	vmul.f32 $3.125000000e-02, v4;
	v4 =	vld [tilespmem:s22+$0x5430]  }
0x15d: {  	[tilespmem:s22+$0xD050] =	vst v0;
	v0 =	vmul.f32 $3.125000000e-02, v5;
	v5 =	vld [tilespmem:s22+$0x5440]  }
0x15e: {  	[tilespmem:s22+$0xD060] =	vst v1;
	v1 =	vmul.f32 $3.125000000e-02, v6;
	v6 =	vld [tilespmem:s22+$0x5450]  }
0x15f: {  	[tilespmem:s22+$0xD070] =	vst v0;
	v0 =	vmul.f32 $3.125000000e-02, v3;
	v3 =	vld [tilespmem:s22+$0x5460]  }
0x160: {  	[tilespmem:s22+$0xD400] =	vst v1;
	v1 =	vmul.f32 $3.125000000e-02, v2;
	v2 =	vld [tilespmem:s22+$0x5470]  }
0x161: {  	[tilespmem:s22+$0xD410] =	vst v0;
	v0 =	vmul.f32 $3.125000000e-02, v4;
	v4 =	vld [tilespmem:s22+$0x5800]  }
0x162: {  	[tilespmem:s22+$0xD420] =	vst v1;
	v1 =	vmul.f32 $3.125000000e-02, v5;
	v5 =	vld [tilespmem:s22+$0x5810]  }
0x163: {  	[tilespmem:s22+$0xD430] =	vst v0;
	v0 =	vmul.f32 $3.125000000e-02, v6;
	v6 =	vld [tilespmem:s22+$0x5820]  }
0x164: {  	[tilespmem:s22+$0xD440] =	vst v1;
	v1 =	vmul.f32 $3.125000000e-02, v3;
	v3 =	vld [tilespmem:s22+$0x5830]  }
0x165: {  	[tilespmem:s22+$0xD450] =	vst v0;
	v0 =	vmul.f32 $3.125000000e-02, v2;
	v2 =	vld [tilespmem:s22+$0x5840]  }
0x166: {  	[tilespmem:s22+$0xD460] =	vst v1;
	v1 =	vmul.f32 $3.125000000e-02, v4;
	v4 =	vld [tilespmem:s22+$0x5850]  }
0x167: {  	[tilespmem:s22+$0xD470] =	vst v0;
	v0 =	vmul.f32 $3.125000000e-02, v5;
	v5 =	vld [tilespmem:s22+$0x5860]  }
0x168: {  	[tilespmem:s22+$0xD800] =	vst v1;
	v1 =	vmul.f32 $3.125000000e-02, v6;
	v6 =	vld [tilespmem:s22+$0x5870]  }
0x169: {  	[tilespmem:s22+$0xD810] =	vst v0;
	v0 =	vmul.f32 $3.125000000e-02, v3;
	v7 =	vld [tilespmem:s22+$0x5C00]  }
.Ltmp3:
0x16a: {  	[tilespmem:s22+$0xD820] =	vst v1;
	v1 =	vmul.f32 $3.125000000e-02, v2;
	v3 =	vld [tilespmem:s22+$0x5C10];
	(pc) =	sbr.rel @p1 .LBB2_5-.Ltmp3, $4  }
0x16b: {  	[tilespmem:s22+$0xD830] =	vst v0;
	v2 =	vmul.f32 $3.125000000e-02, v4;
	v0 =	vld [tilespmem:s22+$0x5C20]  }
0x16c: {  	[tilespmem:s22+$0xD840] =	vst v1;
	v4 =	vmul.f32 $3.125000000e-02, v5;
	v1 =	vld [tilespmem:s22+$0x5C30]  }
0x16d: {  	s23 =	sadd.s32 $0x80, s23;
	[tilespmem:s22+$0xD850] =	vst v2;
	v5 =	vmul.f32 $3.125000000e-02, v6;
	v2 =	vld [tilespmem:s22+$0x5C40]  }
0x16e: {  	s26 =	sand.u32 $0x380, s23;
	s25 =	sand.u32 $0x2000, s24;
	s24 =	sadd.s32 $0x400, s24;
	[tilespmem:s22+$0xD860] =	vst v4;
	v6 =	vmul.f32 $3.125000000e-02, v7;
	v4 =	vld [tilespmem:s22+$0x5C50]  }
0x16f: {  	[tilespmem:s22+$0xD870] =	vst v5;
	s23 =	sor.u32 s26, s25;
	v56 =	vld [tilespmem:s22+$0x5C60];
	v3 =	vmul.f32 $3.125000000e-02, v3  }
0x170: {  	v7 =	vld [tilespmem:s23+$0x5C70];
	[tilespmem:s22+$0xDC00] =	vst v6;
	v0 =	vmul.f32 $3.125000000e-02, v0  }
0x171: {  	v6 =	vld [tilespmem:s23+$0x4000];
	[tilespmem:s22+$0xDC10] =	vst v3;
	v1 =	vmul.f32 $3.125000000e-02, v1  }
0x172: {  	v3 =	vld [tilespmem:s23+$0x4010];
	[tilespmem:s22+$0xDC20] =	vst v0;
	v2 =	vmul.f32 $3.125000000e-02, v2  }
0x173: {  	v0 =	vld [tilespmem:s23+$0x4020];
	[tilespmem:s22+$0xDC30] =	vst v1;
	v4 =	vmul.f32 $3.125000000e-02, v4  }
0x174: {  	v1 =	vld [tilespmem:s23+$0x4030];
	[tilespmem:s22+$0xDC40] =	vst v2;
	v5 =	vmul.f32 $3.125000000e-02, v56  }
0x175: {  	v2 =	vld [tilespmem:s23+$0x4040];
	[tilespmem:s22+$0xDC50] =	vst v4;
	v57 =	vmul.f32 $3.125000000e-02, v7  }
0x176: {  	v58 =	vld [tilespmem:s23+$0x4050];
	v6 =	vmul.f32 $3.125000000e-02, v6;
	[tilespmem:s22+$0xDC60] =	vst v5  }
0x177: {  	v3 =	vmul.f32 $3.125000000e-02, v3;
	v5 =	vld [tilespmem:s23+$0x4060];
	[tilespmem:s23+$0xDC70] =	vst v57  }
0x178: {  	v59 =	vld [tilespmem:s23+$0x4070];
	[tilespmem:s23+$0xC000] =	vst v6;
	v0 =	vmul.f32 $3.125000000e-02, v0  }
0x179: {  	v60 =	vld [tilespmem:s23+$0x4400];
	[tilespmem:s23+$0xC010] =	vst v3;
	v1 =	vmul.f32 $3.125000000e-02, v1  }
0x17a: {  	v62 =	vld [tilespmem:s23+$0x4410];
	[tilespmem:s23+$0xC020] =	vst v0;
	v61 =	vmul.f32 $3.125000000e-02, v2  }
0x17b: {  	v9 =	vld [tilespmem:s23+$0x4420];
	[tilespmem:s23+$0xC030] =	vst v1;
	v63 =	vmul.f32 $3.125000000e-02, v58  }
0x17c: {  	v11 =	vld [tilespmem:s23+$0x4430];
	[tilespmem:s23+$0xC040] =	vst v61;
	v10 =	vmul.f32 $3.125000000e-02, v5  }
0x17d: {  	v13 =	vld [tilespmem:s23+$0x4440];
	v12 =	vmul.f32 $3.125000000e-02, v59;
	[tilespmem:s23+$0xC050] =	vst v63  }
0x17e: {  	v15 =	vld [tilespmem:s23+$0x4450];
	v14 =	vmul.f32 $3.125000000e-02, v60;
	[tilespmem:s23+$0xC060] =	vst v10  }
0x17f: {  	v17 =	vld [tilespmem:s23+$0x4460];
	v16 =	vmul.f32 $3.125000000e-02, v62;
	[tilespmem:s23+$0xC070] =	vst v12  }
0x180: {  	v19 =	vld [tilespmem:s23+$0x4470];
	v18 =	vmul.f32 $3.125000000e-02, v9;
	[tilespmem:s23+$0xC400] =	vst v14  }
0x181: {  	v21 =	vld [tilespmem:s23+$0x4800];
	v20 =	vmul.f32 $3.125000000e-02, v11;
	[tilespmem:s23+$0xC410] =	vst v16  }
0x182: {  	v23 =	vld [tilespmem:s23+$0x4810];
	v22 =	vmul.f32 $3.125000000e-02, v13;
	[tilespmem:s23+$0xC420] =	vst v18  }
0x183: {  	v25 =	vld [tilespmem:s23+$0x4820];
	v24 =	vmul.f32 $3.125000000e-02, v15;
	[tilespmem:s23+$0xC430] =	vst v20  }
0x184: {  	v27 =	vld [tilespmem:s23+$0x4830];
	v26 =	vmul.f32 $3.125000000e-02, v17;
	[tilespmem:s23+$0xC440] =	vst v22  }
0x185: {  	v29 =	vld [tilespmem:s23+$0x4840];
	v28 =	vmul.f32 $3.125000000e-02, v19;
	[tilespmem:s23+$0xC450] =	vst v24  }
0x186: {  	v31 =	vld [tilespmem:s23+$0x4850];
	v30 =	vmul.f32 $3.125000000e-02, v21;
	[tilespmem:s23+$0xC460] =	vst v26  }
0x187: {  	v33 =	vld [tilespmem:s23+$0x4860];
	v32 =	vmul.f32 $3.125000000e-02, v23;
	[tilespmem:s23+$0xC470] =	vst v28  }
0x188: {  	v35 =	vld [tilespmem:s23+$0x4870];
	v34 =	vmul.f32 $3.125000000e-02, v25;
	[tilespmem:s23+$0xC800] =	vst v30  }
0x189: {  	v37 =	vld [tilespmem:s23+$0x4C00];
	v36 =	vmul.f32 $3.125000000e-02, v27;
	[tilespmem:s23+$0xC810] =	vst v32  }
0x18a: {  	v39 =	vld [tilespmem:s23+$0x4C10];
	v38 =	vmul.f32 $3.125000000e-02, v29;
	[tilespmem:s23+$0xC820] =	vst v34  }
0x18b: {  	v41 =	vld [tilespmem:s23+$0x4C20];
	v40 =	vmul.f32 $3.125000000e-02, v31;
	[tilespmem:s23+$0xC830] =	vst v36  }
0x18c: {  	v43 =	vld [tilespmem:s23+$0x4C30];
	v42 =	vmul.f32 $3.125000000e-02, v33;
	[tilespmem:s23+$0xC840] =	vst v38  }
0x18d: {  	v45 =	vld [tilespmem:s23+$0x4C40];
	v44 =	vmul.f32 $3.125000000e-02, v35;
	[tilespmem:s23+$0xC850] =	vst v40  }
0x18e: {  	v47 =	vld [tilespmem:s23+$0x4C50];
	v46 =	vmul.f32 $3.125000000e-02, v37;
	[tilespmem:s23+$0xC860] =	vst v42  }
0x18f: {  	v49 =	vld [tilespmem:s23+$0x4C60];
	v48 =	vmul.f32 $3.125000000e-02, v39;
	[tilespmem:s23+$0xC870] =	vst v44  }
0x190: {  	v51 =	vld [tilespmem:s23+$0x4C70];
	v50 =	vmul.f32 $3.125000000e-02, v41;
	[tilespmem:s23+$0xCC00] =	vst v46  }
0x191: {  	v53 =	vld [tilespmem:s23+$0x5000];
	v52 =	vmul.f32 $3.125000000e-02, v43;
	[tilespmem:s23+$0xCC10] =	vst v48  }
0x192: {  	v55 =	vld [tilespmem:s23+$0x5010];
	v54 =	vmul.f32 $3.125000000e-02, v45;
	[tilespmem:s23+$0xCC20] =	vst v50  }
0x193: {  	v57 =	vld [tilespmem:s23+$0x5020];
	v56 =	vmul.f32 $3.125000000e-02, v47;
	[tilespmem:s23+$0xCC30] =	vst v52  }
0x194: {  	v58 =	vmul.f32 $3.125000000e-02, v49;
	v59 =	vld [tilespmem:s23+$0x5030];
	[tilespmem:s23+$0xCC40] =	vst v54  }
0x195: {  	v60 =	vmul.f32 $3.125000000e-02, v51;
	v61 =	vld [tilespmem:s23+$0x5040];
	[tilespmem:s23+$0xCC50] =	vst v56  }
0x196: {  	v62 =	vmul.f32 $3.125000000e-02, v53;
	v63 =	vld [tilespmem:s23+$0x5050];
	[tilespmem:s23+$0xCC60] =	vst v58  }
0x197: {  	v9 =	vmul.f32 $3.125000000e-02, v55;
	[tilespmem:s23+$0xCC70] =	vst v60;
	v10 =	vld [tilespmem:s23+$0x5060]  }
0x198: {  	v11 =	vmul.f32 $3.125000000e-02, v57;
	[tilespmem:s23+$0xD000] =	vst v62;
	v12 =	vld [tilespmem:s23+$0x5070]  }
0x199: {  	[tilespmem:s23+$0xD010] =	vst v9;
	v14 =	vld [tilespmem:s23+$0x5400];
	v13 =	vmul.f32 $3.125000000e-02, v59  }
0x19a: {  	[tilespmem:s23+$0xD020] =	vst v11;
	v16 =	vld [tilespmem:s23+$0x5410];
	v15 =	vmul.f32 $3.125000000e-02, v61  }
0x19b: {  	v18 =	vld [tilespmem:s23+$0x5420];
	v17 =	vmul.f32 $3.125000000e-02, v63;
	[tilespmem:s23+$0xD030] =	vst v13  }
0x19c: {  	v20 =	vld [tilespmem:s23+$0x5430];
	[tilespmem:s23+$0xD040] =	vst v15;
	v19 =	vmul.f32 $3.125000000e-02, v10  }
0x19d: {  	v22 =	vld [tilespmem:s23+$0x5440];
	v21 =	vmul.f32 $3.125000000e-02, v12;
	[tilespmem:s23+$0xD050] =	vst v17  }
0x19e: {  	v24 =	vld [tilespmem:s23+$0x5450];
	v23 =	vmul.f32 $3.125000000e-02, v14;
	[tilespmem:s23+$0xD060] =	vst v19  }
0x19f: {  	v26 =	vld [tilespmem:s23+$0x5460];
	v25 =	vmul.f32 $3.125000000e-02, v16;
	[tilespmem:s23+$0xD070] =	vst v21  }
0x1a0: {  	v28 =	vld [tilespmem:s23+$0x5470];
	v27 =	vmul.f32 $3.125000000e-02, v18;
	[tilespmem:s23+$0xD400] =	vst v23  }
0x1a1: {  	v30 =	vld [tilespmem:s23+$0x5800];
	v29 =	vmul.f32 $3.125000000e-02, v20;
	[tilespmem:s23+$0xD410] =	vst v25  }
0x1a2: {  	v32 =	vld [tilespmem:s23+$0x5810];
	v31 =	vmul.f32 $3.125000000e-02, v22;
	[tilespmem:s23+$0xD420] =	vst v27  }
0x1a3: {  	v34 =	vld [tilespmem:s23+$0x5820];
	v33 =	vmul.f32 $3.125000000e-02, v24;
	[tilespmem:s23+$0xD430] =	vst v29  }
0x1a4: {  	v36 =	vld [tilespmem:s23+$0x5830];
	v35 =	vmul.f32 $3.125000000e-02, v26;
	[tilespmem:s23+$0xD440] =	vst v31  }
0x1a5: {  	v38 =	vld [tilespmem:s23+$0x5840];
	v37 =	vmul.f32 $3.125000000e-02, v28;
	[tilespmem:s23+$0xD450] =	vst v33  }
0x1a6: {  	v40 =	vld [tilespmem:s23+$0x5850];
	v39 =	vmul.f32 $3.125000000e-02, v30;
	[tilespmem:s23+$0xD460] =	vst v35  }
0x1a7: {  	v42 =	vld [tilespmem:s23+$0x5860];
	v41 =	vmul.f32 $3.125000000e-02, v32;
	[tilespmem:s23+$0xD470] =	vst v37  }
0x1a8: {  	v44 =	vld [tilespmem:s23+$0x5870];
	v43 =	vmul.f32 $3.125000000e-02, v34;
	[tilespmem:s23+$0xD800] =	vst v39  }
0x1a9: {  	v46 =	vld [tilespmem:s23+$0x5C00];
	v45 =	vmul.f32 $3.125000000e-02, v36;
	[tilespmem:s23+$0xD810] =	vst v41  }
0x1aa: {  	v48 =	vld [tilespmem:s23+$0x5C10];
	v47 =	vmul.f32 $3.125000000e-02, v38;
	[tilespmem:s23+$0xD820] =	vst v43  }
0x1ab: {  	v50 =	vld [tilespmem:s23+$0x5C20];
	v49 =	vmul.f32 $3.125000000e-02, v40;
	[tilespmem:s23+$0xD830] =	vst v45  }
0x1ac: {  	v52 =	vld [tilespmem:s23+$0x5C30];
	v51 =	vmul.f32 $3.125000000e-02, v42;
	[tilespmem:s23+$0xD840] =	vst v47  }
0x1ad: {  	v54 =	vld [tilespmem:s23+$0x5C40];
	v53 =	vmul.f32 $3.125000000e-02, v44;
	[tilespmem:s23+$0xD850] =	vst v49  }
0x1ae: {  	v56 =	vld [tilespmem:s23+$0x5C50];
	v55 =	vmul.f32 $3.125000000e-02, v46;
	[tilespmem:s23+$0xD860] =	vst v51  }
0x1af: {  	v58 =	vld [tilespmem:s23+$0x5C60];
	v57 =	vmul.f32 $3.125000000e-02, v48;
	[tilespmem:s23+$0xD870] =	vst v53  }
0x1b0: {  	v59 =	vmul.f32 $3.125000000e-02, v50;
	[tilespmem:s23+$0xDC00] =	vst v55  }
0x1b1: {  	v60 =	vmul.f32 $3.125000000e-02, v52;
	[tilespmem:s23+$0xDC10] =	vst v57  }
0x1b2: {  	v61 =	vmul.f32 $3.125000000e-02, v54;
	[tilespmem:s23+$0xDC20] =	vst v59  }
.Ltmp4:
0x1b3: {  	s31 =	sadd.s32 s21, s4;
	v62 =	vmul.f32 $3.125000000e-02, v56;
	[tilespmem:s23+$0xDC30] =	vst v60;
	(pc) =	sbr.rel @p0 .LBB2_8-.Ltmp4, $4  }
0x1b4: {  	s22 =	sshll.u32 s31, $0x7;
	v63 =	vmul.f32 $3.125000000e-02, v58;
	[tilespmem:s23+$0xDC40] =	vst v61  }
0x1b5: {  	s22 =	sadd.s32 s3, s22;
	[tilespmem:s23+$0xDC50] =	vst v62  }
0x1b6: {  	s22 =	sadd.s32 $0x800, s22;
	[tilespmem:s23+$0xDC60] =	vst v63  }
0x1b7: {  	[hbm4b:s22+s5] =	stream.linear.scatter [tilespmem:s16], [sflag:$0x4], $0x4000, $0x38;
	[tilespmem:$0x10000] =	vst v63  }
.Ltmp5:
0x1b8: {  	(pc) =	sbr.rel .LBB2_2-.Ltmp5, $4  }
0x1b9: {  	s21 =	sadd.s32 s21, s10  }
0x1ba: {  	s21 =	sshll.u32 s21, $0x7  }
0x1bb: {  	s20 =	sadd.s32 $0x1, s20;
	s21 =	sadd.s32 s2, s21  }
0x1bc: {  	[tilespmem:s12], [sflag:$0x2] =	stream.linear.gather [hbm4b:s21+s5], $0x4000, $0x38;
	[tilespmem:$0x10000] =	vst v63  }
.LBB2_9:
0x1bd: {  	_ =	sfence.sel $0x180000  }
0x1be: {  	[bflag:$0x0] =	sbarrier.arrive $0xFFFF  }
0x1bf: {  	p0 =	sne.s32 s0, $0x0;
	_ =	strace $0x90000047  }
0x1c0: {  	s0 =	sadd.s32 @!p0 $0x100000, s1;
	[bflag:$0x2] =	sbarrier.arrive $0xFFFF  }
0x1c1: {  	[sflag:s0] =	ssyncadd.tile.s32 @!p0 $0x1;
	_ =	shalt  }
.Lfunc_end2:
_tile_overlayer_lowered:
.L_overlay_start_2:
0x1c2: {  	(tag) =	ssettag $0x2  }
0x1c3: {  	s0 =	rddreg [dreg:$0x0];
	s2 =	stileid.u32  }
0x1c4: {  	s1 =	rddreg [dreg:$0x1];
	p0 =	sne.s32 s2, $0x0  }
0x1c5: {  	s3 =	rddreg [dreg:$0x2];
	[bflag:$0x3] =	sbarrier.arrive $0xFFFF;
	s2 =	simm.s32 @!p0 $0x1C05  }
0x1c6: {  	[timem:s3], [sflag:s2] =	dma.local @!p0 [hbm:s0], s1  }
0x1c7: {  	s0 =	simm.s32 @!p0 $0x5  }
0x1c8: {  	_ =	swait.ge @!p0 [sflag:s0], s1  }
0x1c9: {  	s1 =	ssub.s32 @!p0 $0x0, s1;
	[sflag:s0] =	ssyncset.done @!p0 $0x0  }
0x1ca: {  	[sflag:s0] =	ssyncadd.s32 @!p0 s1  }
0x1cb: {  	[bflag:$0x3] =	sbarrier.arrive $0xFFFF  }
0x1cc: {  	_ =	shalt  }

</sc_bundles>
